<compile_context>
chip_gen: v7x
topology: tpu7x:2x2x1
jax: 0.10.2.dev20260603
libtpu: 0.0.44.dev20260713+nightly
codegen_flags: <defaults>
</compile_context>

<pallas_src>
import functools

import jax
import jax.numpy as jnp
from jax import lax
from jax.experimental import pallas as pl
from jax.experimental.pallas import tpu as pltpu
from jax.experimental.pallas import tpu_sc as plsc

N_CLS = 101
CTX_LEN = 77
CLS_PAD = 104
CTX_DIM = 512
NUM_CORES = 2
NUM_SUBCORES = 16
NW = NUM_CORES * NUM_SUBCORES


def kernel(tokenized_prompts, token_embedding):
    idx_t = tokenized_prompts.T
    idxp = jnp.concatenate([idx_t, idx_t[:, -3:]], axis=1).reshape(-1)

    mesh = plsc.VectorSubcoreMesh(core_axis_name="c", subcore_axis_name="s")

    @functools.partial(
        pl.kernel,
        mesh=mesh,
        out_type=jax.ShapeDtypeStruct(
            (CTX_LEN, CLS_PAD, CTX_DIM), token_embedding.dtype),
        scratch_types=[
            pltpu.VMEM((CLS_PAD,), jnp.int32),
            pltpu.VMEM((CLS_PAD,), jnp.int32),
            pltpu.VMEM((CLS_PAD, CTX_DIM), jnp.float32),
            pltpu.VMEM((CLS_PAD, CTX_DIM), jnp.float32),
            pltpu.SemaphoreType.DMA,
            pltpu.SemaphoreType.DMA,
            pltpu.SemaphoreType.DMA,
            pltpu.SemaphoreType.DMA,
        ],
    )
    def gather_kernel(table_hbm, idx_hbm, out_hbm,
                      i0, i1, ma, mb, s0, s1, s2, s3):
        wid = lax.axis_index("s") * NUM_CORES + lax.axis_index("c")
        t0 = 2 * wid + jnp.minimum(wid, 13)
        ibufs = (i0, i1)
        mains = (ma, mb)
        msems = ((s0, s1), (s2, s3))

        def start(k):
            b = k % 2
            pltpu.sync_copy(
                idx_hbm.at[pl.ds(CLS_PAD * (t0 + k), CLS_PAD)], ibufs[b])
            cpa = pltpu.make_async_copy(
                table_hbm.at[ibufs[b].at[pl.ds(0, 48)]],
                mains[b].at[pl.ds(0, 48)], msems[b][0])
            cpb = pltpu.make_async_copy(
                table_hbm.at[ibufs[b].at[pl.ds(48, 56)]],
                mains[b].at[pl.ds(48, 56)], msems[b][1])
            cpa.start()
            cpb.start()
            return cpa, cpb

        def finish(k, cps):
            cps[0].wait()
            cps[1].wait()
            pltpu.sync_copy(mains[k % 2], out_hbm.at[t0 + k])

        def run(nt):
            cp = start(0)
            for k in range(nt):
                nxt = start(k + 1) if k + 1 < nt else None
                finish(k, cp)
                cp = nxt

        @pl.when(wid < 13)
        def _():
            run(3)

        @pl.when(wid >= 13)
        def _():
            run(2)

    out_t = gather_kernel(token_embedding, idxp)
    return jnp.transpose(out_t, (1, 0, 2))[:N_CLS]

# --- scband reference (transcript-rebuilt; emitter-appended) ---
"""Pipeline reference for scband-prompt-learner-ucf-70068096467634 (READ-ONLY COPY).

The authoritative reference and input builder live on the scoring server;
editing this copy changes nothing except your own understanding.
"""

import jax, jax.numpy as jnp
import numpy as np

N_CLS = 101
CTX_LEN = 77
VOCAB = 49408
CTX_DIM = 512

def setup_inputs(seed: int = 0) -> dict:
    key = jax.random.key(seed)
    k1, k2 = jax.random.split(key)
    tokenized_prompts = jax.random.randint(k1, (N_CLS, CTX_LEN), 0, VOCAB, dtype=jnp.int32)
    token_embedding = jax.random.normal(k2, (VOCAB, CTX_DIM), dtype=jnp.float32) * 0.02
    return {"tokenized_prompts": tokenized_prompts, "token_embedding": token_embedding}

def reference(tokenized_prompts, token_embedding):
    # PromptLearner_ucf.__init__ computes:
    #   self.embedding = clip_model.token_embedding(tokenized_prompts)
    # and forward() returns self.embedding unchanged. The underlying op is a
    # row-gather from the token embedding table.
    prompts = jnp.take(token_embedding, tokenized_prompts, axis=0)
    return prompts

if __name__ == "__main__":
    import jax
    _d = setup_inputs()
    print(jax.jit(kernel)(*tuple(_d.values())))

</pallas_src>

<mosaic_0001>
#map = affine_map<(d0, d1) -> (0, 0)>
#map1 = affine_map<(d0, d1) -> (0)>
#map2 = affine_map<(d0, d1) -> (0, 0, 0)>
module attributes {stable_mosaic.version = 14 : i64} {
  func.func @gather_kernel(%arg0: i32, %arg1: i32, %arg2: memref<49408x512xf32, #tpu.memory_space<hbm>>, %arg3: memref<8008xi32, #tpu.memory_space<hbm>>, %arg4: memref<77x104x512xf32, #tpu.memory_space<hbm>>, %arg5: memref<104xi32, #tpu.memory_space<vmem>>, %arg6: memref<104xi32, #tpu.memory_space<vmem>>, %arg7: memref<104x512xf32, #tpu.memory_space<vmem>>, %arg8: memref<104x512xf32, #tpu.memory_space<vmem>>, %arg9: memref<!tpu.dma_semaphore, #tpu.memory_space<semaphore_mem>>, %arg10: memref<!tpu.dma_semaphore, #tpu.memory_space<semaphore_mem>>, %arg11: memref<!tpu.dma_semaphore, #tpu.memory_space<semaphore_mem>>, %arg12: memref<!tpu.dma_semaphore, #tpu.memory_space<semaphore_mem>>) attributes {dimension_semantics = [#tpu.dimension_semantics<core_parallel>, #tpu.dimension_semantics<subcore_parallel>], iteration_bounds = array<i64: 2, 16>, scalar_prefetch = 0 : i64, scratch_operands = 8 : i64, tpu.core_type = #tpu.core_type<sc_vector_subcore>, window_params = [{transform_indices = #map}, {transform_indices = #map1}, {transform_indices = #map2}]} {
    %mul3A = arith.constant 2 : i32
    %mul3A_0 = arith.muli %arg1, %mul3A : i32
    %add3A = arith.addi %mul3A_0, %arg0 : i32
    %mul3A_1 = arith.constant 2 : i32
    %mul3A_2 = arith.muli %mul3A_1, %add3A : i32
    %min3A = arith.constant 13 : i32
    %min3A_3 = arith.minsi %add3A, %min3A : i32
    %add3A_4 = arith.addi %mul3A_2, %min3A_3 : i32
    %lt3A = arith.constant 13 : i32
    %lt3A_5 = arith.cmpi slt, %add3A, %lt3A : i32
    %convert_element_type3A = arith.extui %lt3A_5 : i1 to i32
    %cond3A = arith.constant 0 : i32
    %cond3A_6 = arith.cmpi ne, %convert_element_type3A, %cond3A : i32
    scf.if %cond3A_6 {
      %add3A_11 = arith.constant 0 : i32
      %add3A_12 = arith.addi %add3A_4, %add3A_11 : i32
      %mul3A_13 = arith.constant 104 : i32
      %mul3A_14 = arith.muli %mul3A_13, %add3A_12 : i32
      "tpu.region"() ({
        %run_scoped3A = tpu.sem_alloc : memref<!tpu.dma_semaphore, #tpu.memory_space<semaphore_mem>>
        %dma_start3A_123 = tpu.memref_slice %arg3[%mul3A_14] : memref<8008xi32, #tpu.memory_space<hbm>> -> memref<104xi32, #tpu.memory_space<hbm>>
        %dma_start3A_124 = tpu.memref_slice %arg3[%mul3A_14] : memref<8008xi32, #tpu.memory_space<hbm>> -> memref<104xi32, #tpu.memory_space<hbm>>
        tpu.enqueue_dma source(%dma_start3A_124 : memref<104xi32, #tpu.memory_space<hbm>>) target(%arg5 : memref<104xi32, #tpu.memory_space<vmem>>) target_semaphore(%run_scoped3A : memref<!tpu.dma_semaphore, #tpu.memory_space<semaphore_mem>>)
        %dma_wait3A_125 = tpu.memref_slice %arg3[%mul3A_14] : memref<8008xi32, #tpu.memory_space<hbm>> -> memref<104xi32, #tpu.memory_space<hbm>>
        %dma_wait3A_126 = tpu.memref_slice %arg3[%mul3A_14] : memref<8008xi32, #tpu.memory_space<hbm>> -> memref<104xi32, #tpu.memory_space<hbm>>
        tpu.wait_dma2 semaphore(%run_scoped3A : memref<!tpu.dma_semaphore, #tpu.memory_space<semaphore_mem>>) src(%dma_wait3A_126 : memref<104xi32, #tpu.memory_space<hbm>>) dst(%arg5 : memref<104xi32, #tpu.memory_space<vmem>>)
        tpu.yield
      }) : () -> ()
      %dma_start3A = arith.constant 0 : i32
      %dma_start3A_15 = arith.constant 0 : i32
      %dma_start3A_16 = tpu.memref_slice %arg7[%dma_start3A, %dma_start3A_15] : memref<104x512xf32, #tpu.memory_space<vmem>> -> memref<48x512xf32, #tpu.memory_space<vmem>>
      %dma_start3A_17 = arith.constant 0 : i32
      %dma_start3A_18 = tpu.memref_slice %arg5[%dma_start3A_17] : memref<104xi32, #tpu.memory_space<vmem>> -> memref<48xi32, #tpu.memory_space<vmem>>
      %dma_start3A_19 = arith.constant 0 : i32
      %dma_start3A_20 = arith.constant 0 : i32
      %dma_start3A_21 = tpu.memref_slice %arg2[%dma_start3A_19, %dma_start3A_20] : memref<49408x512xf32, #tpu.memory_space<hbm>> -> memref<49408x512xf32, #tpu.memory_space<hbm>>
      tpu.enqueue_indirect_dma source(%dma_start3A_21 : memref<49408x512xf32, #tpu.memory_space<hbm>>) target(%dma_start3A_16 : memref<48x512xf32, #tpu.memory_space<vmem>>) offsets(%dma_start3A_18 : memref<48xi32, #tpu.memory_space<vmem>>) semaphore(%arg9 : memref<!tpu.dma_semaphore, #tpu.memory_space<semaphore_mem>>)
      %dma_start3A_22 = arith.constant 48 : i32
      %dma_start3A_23 = arith.constant 0 : i32
      %dma_start3A_24 = tpu.memref_slice %arg7[%dma_start3A_22, %dma_start3A_23] : memref<104x512xf32, #tpu.memory_space<vmem>> -> memref<56x512xf32, #tpu.memory_space<vmem>>
      %dma_start3A_25 = arith.constant 48 : i32
      %dma_start3A_26 = tpu.memref_slice %arg5[%dma_start3A_25] : memref<104xi32, #tpu.memory_space<vmem>> -> memref<56xi32, #tpu.memory_space<vmem>>
      %dma_start3A_27 = arith.constant 0 : i32
      %dma_start3A_28 = arith.constant 0 : i32
      %dma_start3A_29 = tpu.memref_slice %arg2[%dma_start3A_27, %dma_start3A_28] : memref<49408x512xf32, #tpu.memory_space<hbm>> -> memref<49408x512xf32, #tpu.memory_space<hbm>>
      tpu.enqueue_indirect_dma source(%dma_start3A_29 : memref<49408x512xf32, #tpu.memory_space<hbm>>) target(%dma_start3A_24 : memref<56x512xf32, #tpu.memory_space<vmem>>) offsets(%dma_start3A_26 : memref<56xi32, #tpu.memory_space<vmem>>) semaphore(%arg10 : memref<!tpu.dma_semaphore, #tpu.memory_space<semaphore_mem>>)
      %add3A_30 = arith.constant 1 : i32
      %add3A_31 = arith.addi %add3A_4, %add3A_30 : i32
      %mul3A_32 = arith.constant 104 : i32
      %mul3A_33 = arith.muli %mul3A_32, %add3A_31 : i32
      "tpu.region"() ({
        %run_scoped3A = tpu.sem_alloc : memref<!tpu.dma_semaphore, #tpu.memory_space<semaphore_mem>>
        %dma_start3A_123 = tpu.memref_slice %arg3[%mul3A_33] : memref<8008xi32, #tpu.memory_space<hbm>> -> memref<104xi32, #tpu.memory_space<hbm>>
        %dma_start3A_124 = tpu.memref_slice %arg3[%mul3A_33] : memref<8008xi32, #tpu.memory_space<hbm>> -> memref<104xi32, #tpu.memory_space<hbm>>
        tpu.enqueue_dma source(%dma_start3A_124 : memref<104xi32, #tpu.memory_space<hbm>>) target(%arg6 : memref<104xi32, #tpu.memory_space<vmem>>) target_semaphore(%run_scoped3A : memref<!tpu.dma_semaphore, #tpu.memory_space<semaphore_mem>>)
        %dma_wait3A_125 = tpu.memref_slice %arg3[%mul3A_33] : memref<8008xi32, #tpu.memory_space<hbm>> -> memref<104xi32, #tpu.memory_space<hbm>>
        %dma_wait3A_126 = tpu.memref_slice %arg3[%mul3A_33] : memref<8008xi32, #tpu.memory_space<hbm>> -> memref<104xi32, #tpu.memory_space<hbm>>
        tpu.wait_dma2 semaphore(%run_scoped3A : memref<!tpu.dma_semaphore, #tpu.memory_space<semaphore_mem>>) src(%dma_wait3A_126 : memref<104xi32, #tpu.memory_space<hbm>>) dst(%arg6 : memref<104xi32, #tpu.memory_space<vmem>>)
        tpu.yield
      }) : () -> ()
      %dma_start3A_34 = arith.constant 0 : i32
      %dma_start3A_35 = arith.constant 0 : i32
      %dma_start3A_36 = tpu.memref_slice %arg8[%dma_start3A_34, %dma_start3A_35] : memref<104x512xf32, #tpu.memory_space<vmem>> -> memref<48x512xf32, #tpu.memory_space<vmem>>
      %dma_start3A_37 = arith.constant 0 : i32
      %dma_start3A_38 = tpu.memref_slice %arg6[%dma_start3A_37] : memref<104xi32, #tpu.memory_space<vmem>> -> memref<48xi32, #tpu.memory_space<vmem>>
      %dma_start3A_39 = arith.constant 0 : i32
      %dma_start3A_40 = arith.constant 0 : i32
      %dma_start3A_41 = tpu.memref_slice %arg2[%dma_start3A_39, %dma_start3A_40] : memref<49408x512xf32, #tpu.memory_space<hbm>> -> memref<49408x512xf32, #tpu.memory_space<hbm>>
      tpu.enqueue_indirect_dma source(%dma_start3A_41 : memref<49408x512xf32, #tpu.memory_space<hbm>>) target(%dma_start3A_36 : memref<48x512xf32, #tpu.memory_space<vmem>>) offsets(%dma_start3A_38 : memref<48xi32, #tpu.memory_space<vmem>>) semaphore(%arg11 : memref<!tpu.dma_semaphore, #tpu.memory_space<semaphore_mem>>)
      %dma_start3A_42 = arith.constant 48 : i32
      %dma_start3A_43 = arith.constant 0 : i32
      %dma_start3A_44 = tpu.memref_slice %arg8[%dma_start3A_42, %dma_start3A_43] : memref<104x512xf32, #tpu.memory_space<vmem>> -> memref<56x512xf32, #tpu.memory_space<vmem>>
      %dma_start3A_45 = arith.constant 48 : i32
      %dma_start3A_46 = tpu.memref_slice %arg6[%dma_start3A_45] : memref<104xi32, #tpu.memory_space<vmem>> -> memref<56xi32, #tpu.memory_space<vmem>>
      %dma_start3A_47 = arith.constant 0 : i32
      %dma_start3A_48 = arith.constant 0 : i32
      %dma_start3A_49 = tpu.memref_slice %arg2[%dma_start3A_47, %dma_start3A_48] : memref<49408x512xf32, #tpu.memory_space<hbm>> -> memref<49408x512xf32, #tpu.memory_space<hbm>>
      tpu.enqueue_indirect_dma source(%dma_start3A_49 : memref<49408x512xf32, #tpu.memory_space<hbm>>) target(%dma_start3A_44 : memref<56x512xf32, #tpu.memory_space<vmem>>) offsets(%dma_start3A_46 : memref<56xi32, #tpu.memory_space<vmem>>) semaphore(%arg12 : memref<!tpu.dma_semaphore, #tpu.memory_space<semaphore_mem>>)
      %dma_wait3A = arith.constant 0 : i32
      %dma_wait3A_50 = arith.constant 0 : i32
      %dma_wait3A_51 = tpu.memref_slice %arg7[%dma_wait3A, %dma_wait3A_50] : memref<104x512xf32, #tpu.memory_space<vmem>> -> memref<48x512xf32, #tpu.memory_space<vmem>>
      %dma_wait3A_52 = arith.constant 0 : i32
      %dma_wait3A_53 = tpu.memref_slice %arg5[%dma_wait3A_52] : memref<104xi32, #tpu.memory_space<vmem>> -> memref<48xi32, #tpu.memory_space<vmem>>
      %dma_wait3A_54 = arith.constant 0 : i32
      %dma_wait3A_55 = arith.constant 0 : i32
      %dma_wait3A_56 = tpu.memref_slice %arg2[%dma_wait3A_54, %dma_wait3A_55] : memref<49408x512xf32, #tpu.memory_space<hbm>> -> memref<49408x512xf32, #tpu.memory_space<hbm>>
      tpu.wait_indirect_dma semaphore(%arg9 : memref<!tpu.dma_semaphore, #tpu.memory_space<semaphore_mem>>) src(%dma_wait3A_56 : memref<49408x512xf32, #tpu.memory_space<hbm>>) dst(%dma_wait3A_51 : memref<48x512xf32, #tpu.memory_space<vmem>>)
      %dma_wait3A_57 = arith.constant 48 : i32
      %dma_wait3A_58 = arith.constant 0 : i32
      %dma_wait3A_59 = tpu.memref_slice %arg7[%dma_wait3A_57, %dma_wait3A_58] : memref<104x512xf32, #tpu.memory_space<vmem>> -> memref<56x512xf32, #tpu.memory_space<vmem>>
      %dma_wait3A_60 = arith.constant 48 : i32
      %dma_wait3A_61 = tpu.memref_slice %arg5[%dma_wait3A_60] : memref<104xi32, #tpu.memory_space<vmem>> -> memref<56xi32, #tpu.memory_space<vmem>>
      %dma_wait3A_62 = arith.constant 0 : i32
      %dma_wait3A_63 = arith.constant 0 : i32
      %dma_wait3A_64 = tpu.memref_slice %arg2[%dma_wait3A_62, %dma_wait3A_63] : memref<49408x512xf32, #tpu.memory_space<hbm>> -> memref<49408x512xf32, #tpu.memory_space<hbm>>
      tpu.wait_indirect_dma semaphore(%arg10 : memref<!tpu.dma_semaphore, #tpu.memory_space<semaphore_mem>>) src(%dma_wait3A_64 : memref<49408x512xf32, #tpu.memory_space<hbm>>) dst(%dma_wait3A_59 : memref<56x512xf32, #tpu.memory_space<vmem>>)
      %add3A_65 = arith.constant 0 : i32
      %add3A_66 = arith.addi %add3A_4, %add3A_65 : i32
      "tpu.region"() ({
        %run_scoped3A = tpu.sem_alloc : memref<!tpu.dma_semaphore, #tpu.memory_space<semaphore_mem>>
        %dma_start3A_123 = arith.constant 0 : i32
        %dma_start3A_124 = arith.constant 0 : i32
        %dma_start3A_125 = tpu.memref_slice %arg4[%add3A_66, %dma_start3A_123, %dma_start3A_124] : memref<77x104x512xf32, #tpu.memory_space<hbm>> -> memref<1x104x512xf32, #tpu.memory_space<hbm>>
        %dma_start3A_126 = tpu.memref_squeeze %dma_start3A_125 : memref<1x104x512xf32, #tpu.memory_space<hbm>> -> memref<104x512xf32, #tpu.memory_space<hbm>>
        %dma_start3A_127 = arith.constant 0 : i32
        %dma_start3A_128 = arith.constant 0 : i32
        %dma_start3A_129 = tpu.memref_slice %arg4[%add3A_66, %dma_start3A_127, %dma_start3A_128] : memref<77x104x512xf32, #tpu.memory_space<hbm>> -> memref<1x104x512xf32, #tpu.memory_space<hbm>>
        %dma_start3A_130 = tpu.memref_squeeze %dma_start3A_129 : memref<1x104x512xf32, #tpu.memory_space<hbm>> -> memref<104x512xf32, #tpu.memory_space<hbm>>
        tpu.enqueue_dma source(%arg7 : memref<104x512xf32, #tpu.memory_space<vmem>>) target(%dma_start3A_130 : memref<104x512xf32, #tpu.memory_space<hbm>>) target_semaphore(%run_scoped3A : memref<!tpu.dma_semaphore, #tpu.memory_space<semaphore_mem>>)
        %dma_wait3A_131 = arith.constant 0 : i32
        %dma_wait3A_132 = arith.constant 0 : i32
        %dma_wait3A_133 = tpu.memref_slice %arg4[%add3A_66, %dma_wait3A_131, %dma_wait3A_132] : memref<77x104x512xf32, #tpu.memory_space<hbm>> -> memref<1x104x512xf32, #tpu.memory_space<hbm>>
        %dma_wait3A_134 = tpu.memref_squeeze %dma_wait3A_133 : memref<1x104x512xf32, #tpu.memory_space<hbm>> -> memref<104x512xf32, #tpu.memory_space<hbm>>
        %dma_wait3A_135 = arith.constant 0 : i32
        %dma_wait3A_136 = arith.constant 0 : i32
        %dma_wait3A_137 = tpu.memref_slice %arg4[%add3A_66, %dma_wait3A_135, %dma_wait3A_136] : memref<77x104x512xf32, #tpu.memory_space<hbm>> -> memref<1x104x512xf32, #tpu.memory_space<hbm>>
        %dma_wait3A_138 = tpu.memref_squeeze %dma_wait3A_137 : memref<1x104x512xf32, #tpu.memory_space<hbm>> -> memref<104x512xf32, #tpu.memory_space<hbm>>
        tpu.wait_dma2 semaphore(%run_scoped3A : memref<!tpu.dma_semaphore, #tpu.memory_space<semaphore_mem>>) src(%arg7 : memref<104x512xf32, #tpu.memory_space<vmem>>) dst(%dma_wait3A_138 : memref<104x512xf32, #tpu.memory_space<hbm>>)
        tpu.yield
      }) : () -> ()
      %add3A_67 = arith.constant 2 : i32
      %add3A_68 = arith.addi %add3A_4, %add3A_67 : i32
      %mul3A_69 = arith.constant 104 : i32
      %mul3A_70 = arith.muli %mul3A_69, %add3A_68 : i32
      "tpu.region"() ({
        %run_scoped3A = tpu.sem_alloc : memref<!tpu.dma_semaphore, #tpu.memory_space<semaphore_mem>>
        %dma_start3A_123 = tpu.memref_slice %arg3[%mul3A_70] : memref<8008xi32, #tpu.memory_space<hbm>> -> memref<104xi32, #tpu.memory_space<hbm>>
        %dma_start3A_124 = tpu.memref_slice %arg3[%mul3A_70] : memref<8008xi32, #tpu.memory_space<hbm>> -> memref<104xi32, #tpu.memory_space<hbm>>
        tpu.enqueue_dma source(%dma_start3A_124 : memref<104xi32, #tpu.memory_space<hbm>>) target(%arg5 : memref<104xi32, #tpu.memory_space<vmem>>) target_semaphore(%run_scoped3A : memref<!tpu.dma_semaphore, #tpu.memory_space<semaphore_mem>>)
        %dma_wait3A_125 = tpu.memref_slice %arg3[%mul3A_70] : memref<8008xi32, #tpu.memory_space<hbm>> -> memref<104xi32, #tpu.memory_space<hbm>>
        %dma_wait3A_126 = tpu.memref_slice %arg3[%mul3A_70] : memref<8008xi32, #tpu.memory_space<hbm>> -> memref<104xi32, #tpu.memory_space<hbm>>
        tpu.wait_dma2 semaphore(%run_scoped3A : memref<!tpu.dma_semaphore, #tpu.memory_space<semaphore_mem>>) src(%dma_wait3A_126 : memref<104xi32, #tpu.memory_space<hbm>>) dst(%arg5 : memref<104xi32, #tpu.memory_space<vmem>>)
        tpu.yield
      }) : () -> ()
      %dma_start3A_71 = arith.constant 0 : i32
      %dma_start3A_72 = arith.constant 0 : i32
      %dma_start3A_73 = tpu.memref_slice %arg7[%dma_start3A_71, %dma_start3A_72] : memref<104x512xf32, #tpu.memory_space<vmem>> -> memref<48x512xf32, #tpu.memory_space<vmem>>
      %dma_start3A_74 = arith.constant 0 : i32
      %dma_start3A_75 = tpu.memref_slice %arg5[%dma_start3A_74] : memref<104xi32, #tpu.memory_space<vmem>> -> memref<48xi32, #tpu.memory_space<vmem>>
      %dma_start3A_76 = arith.constant 0 : i32
      %dma_start3A_77 = arith.constant 0 : i32
      %dma_start3A_78 = tpu.memref_slice %arg2[%dma_start3A_76, %dma_start3A_77] : memref<49408x512xf32, #tpu.memory_space<hbm>> -> memref<49408x512xf32, #tpu.memory_space<hbm>>
      tpu.enqueue_indirect_dma source(%dma_start3A_78 : memref<49408x512xf32, #tpu.memory_space<hbm>>) target(%dma_start3A_73 : memref<48x512xf32, #tpu.memory_space<vmem>>) offsets(%dma_start3A_75 : memref<48xi32, #tpu.memory_space<vmem>>) semaphore(%arg9 : memref<!tpu.dma_semaphore, #tpu.memory_space<semaphore_mem>>)
      %dma_start3A_79 = arith.constant 48 : i32
      %dma_start3A_80 = arith.constant 0 : i32
      %dma_start3A_81 = tpu.memref_slice %arg7[%dma_start3A_79, %dma_start3A_80] : memref<104x512xf32, #tpu.memory_space<vmem>> -> memref<56x512xf32, #tpu.memory_space<vmem>>
      %dma_start3A_82 = arith.constant 48 : i32
      %dma_start3A_83 = tpu.memref_slice %arg5[%dma_start3A_82] : memref<104xi32, #tpu.memory_space<vmem>> -> memref<56xi32, #tpu.memory_space<vmem>>
      %dma_start3A_84 = arith.constant 0 : i32
      %dma_start3A_85 = arith.constant 0 : i32
      %dma_start3A_86 = tpu.memref_slice %arg2[%dma_start3A_84, %dma_start3A_85] : memref<49408x512xf32, #tpu.memory_space<hbm>> -> memref<49408x512xf32, #tpu.memory_space<hbm>>
      tpu.enqueue_indirect_dma source(%dma_start3A_86 : memref<49408x512xf32, #tpu.memory_space<hbm>>) target(%dma_start3A_81 : memref<56x512xf32, #tpu.memory_space<vmem>>) offsets(%dma_start3A_83 : memref<56xi32, #tpu.memory_space<vmem>>) semaphore(%arg10 : memref<!tpu.dma_semaphore, #tpu.memory_space<semaphore_mem>>)
      %dma_wait3A_87 = arith.constant 0 : i32
      %dma_wait3A_88 = arith.constant 0 : i32
      %dma_wait3A_89 = tpu.memref_slice %arg8[%dma_wait3A_87, %dma_wait3A_88] : memref<104x512xf32, #tpu.memory_space<vmem>> -> memref<48x512xf32, #tpu.memory_space<vmem>>
      %dma_wait3A_90 = arith.constant 0 : i32
      %dma_wait3A_91 = tpu.memref_slice %arg6[%dma_wait3A_90] : memref<104xi32, #tpu.memory_space<vmem>> -> memref<48xi32, #tpu.memory_space<vmem>>
      %dma_wait3A_92 = arith.constant 0 : i32
      %dma_wait3A_93 = arith.constant 0 : i32
      %dma_wait3A_94 = tpu.memref_slice %arg2[%dma_wait3A_92, %dma_wait3A_93] : memref<49408x512xf32, #tpu.memory_space<hbm>> -> memref<49408x512xf32, #tpu.memory_space<hbm>>
      tpu.wait_indirect_dma semaphore(%arg11 : memref<!tpu.dma_semaphore, #tpu.memory_space<semaphore_mem>>) src(%dma_wait3A_94 : memref<49408x512xf32, #tpu.memory_space<hbm>>) dst(%dma_wait3A_89 : memref<48x512xf32, #tpu.memory_space<vmem>>)
      %dma_wait3A_95 = arith.constant 48 : i32
      %dma_wait3A_96 = arith.constant 0 : i32
      %dma_wait3A_97 = tpu.memref_slice %arg8[%dma_wait3A_95, %dma_wait3A_96] : memref<104x512xf32, #tpu.memory_space<vmem>> -> memref<56x512xf32, #tpu.memory_space<vmem>>
      %dma_wait3A_98 = arith.constant 48 : i32
      %dma_wait3A_99 = tpu.memref_slice %arg6[%dma_wait3A_98] : memref<104xi32, #tpu.memory_space<vmem>> -> memref<56xi32, #tpu.memory_space<vmem>>
      %dma_wait3A_100 = arith.constant 0 : i32
      %dma_wait3A_101 = arith.constant 0 : i32
      %dma_wait3A_102 = tpu.memref_slice %arg2[%dma_wait3A_100, %dma_wait3A_101] : memref<49408x512xf32, #tpu.memory_space<hbm>> -> memref<49408x512xf32, #tpu.memory_space<hbm>>
      tpu.wait_indirect_dma semaphore(%arg12 : memref<!tpu.dma_semaphore, #tpu.memory_space<semaphore_mem>>) src(%dma_wait3A_102 : memref<49408x512xf32, #tpu.memory_space<hbm>>) dst(%dma_wait3A_97 : memref<56x512xf32, #tpu.memory_space<vmem>>)
      %add3A_103 = arith.constant 1 : i32
      %add3A_104 = arith.addi %add3A_4, %add3A_103 : i32
      "tpu.region"() ({
        %run_scoped3A = tpu.sem_alloc : memref<!tpu.dma_semaphore, #tpu.memory_space<semaphore_mem>>
        %dma_start3A_123 = arith.constant 0 : i32
        %dma_start3A_124 = arith.constant 0 : i32
        %dma_start3A_125 = tpu.memref_slice %arg4[%add3A_104, %dma_start3A_123, %dma_start3A_124] : memref<77x104x512xf32, #tpu.memory_space<hbm>> -> memref<1x104x512xf32, #tpu.memory_space<hbm>>
        %dma_start3A_126 = tpu.memref_squeeze %dma_start3A_125 : memref<1x104x512xf32, #tpu.memory_space<hbm>> -> memref<104x512xf32, #tpu.memory_space<hbm>>
        %dma_start3A_127 = arith.constant 0 : i32
        %dma_start3A_128 = arith.constant 0 : i32
        %dma_start3A_129 = tpu.memref_slice %arg4[%add3A_104, %dma_start3A_127, %dma_start3A_128] : memref<77x104x512xf32, #tpu.memory_space<hbm>> -> memref<1x104x512xf32, #tpu.memory_space<hbm>>
        %dma_start3A_130 = tpu.memref_squeeze %dma_start3A_129 : memref<1x104x512xf32, #tpu.memory_space<hbm>> -> memref<104x512xf32, #tpu.memory_space<hbm>>
        tpu.enqueue_dma source(%arg8 : memref<104x512xf32, #tpu.memory_space<vmem>>) target(%dma_start3A_130 : memref<104x512xf32, #tpu.memory_space<hbm>>) target_semaphore(%run_scoped3A : memref<!tpu.dma_semaphore, #tpu.memory_space<semaphore_mem>>)
        %dma_wait3A_131 = arith.constant 0 : i32
        %dma_wait3A_132 = arith.constant 0 : i32
        %dma_wait3A_133 = tpu.memref_slice %arg4[%add3A_104, %dma_wait3A_131, %dma_wait3A_132] : memref<77x104x512xf32, #tpu.memory_space<hbm>> -> memref<1x104x512xf32, #tpu.memory_space<hbm>>
        %dma_wait3A_134 = tpu.memref_squeeze %dma_wait3A_133 : memref<1x104x512xf32, #tpu.memory_space<hbm>> -> memref<104x512xf32, #tpu.memory_space<hbm>>
        %dma_wait3A_135 = arith.constant 0 : i32
        %dma_wait3A_136 = arith.constant 0 : i32
        %dma_wait3A_137 = tpu.memref_slice %arg4[%add3A_104, %dma_wait3A_135, %dma_wait3A_136] : memref<77x104x512xf32, #tpu.memory_space<hbm>> -> memref<1x104x512xf32, #tpu.memory_space<hbm>>
        %dma_wait3A_138 = tpu.memref_squeeze %dma_wait3A_137 : memref<1x104x512xf32, #tpu.memory_space<hbm>> -> memref<104x512xf32, #tpu.memory_space<hbm>>
        tpu.wait_dma2 semaphore(%run_scoped3A : memref<!tpu.dma_semaphore, #tpu.memory_space<semaphore_mem>>) src(%arg8 : memref<104x512xf32, #tpu.memory_space<vmem>>) dst(%dma_wait3A_138 : memref<104x512xf32, #tpu.memory_space<hbm>>)
        tpu.yield
      }) : () -> ()
      %dma_wait3A_105 = arith.constant 0 : i32
      %dma_wait3A_106 = arith.constant 0 : i32
      %dma_wait3A_107 = tpu.memref_slice %arg7[%dma_wait3A_105, %dma_wait3A_106] : memref<104x512xf32, #tpu.memory_space<vmem>> -> memref<48x512xf32, #tpu.memory_space<vmem>>
      %dma_wait3A_108 = arith.constant 0 : i32
      %dma_wait3A_109 = tpu.memref_slice %arg5[%dma_wait3A_108] : memref<104xi32, #tpu.memory_space<vmem>> -> memref<48xi32, #tpu.memory_space<vmem>>
      %dma_wait3A_110 = arith.constant 0 : i32
      %dma_wait3A_111 = arith.constant 0 : i32
      %dma_wait3A_112 = tpu.memref_slice %arg2[%dma_wait3A_110, %dma_wait3A_111] : memref<49408x512xf32, #tpu.memory_space<hbm>> -> memref<49408x512xf32, #tpu.memory_space<hbm>>
      tpu.wait_indirect_dma semaphore(%arg9 : memref<!tpu.dma_semaphore, #tpu.memory_space<semaphore_mem>>) src(%dma_wait3A_112 : memref<49408x512xf32, #tpu.memory_space<hbm>>) dst(%dma_wait3A_107 : memref<48x512xf32, #tpu.memory_space<vmem>>)
      %dma_wait3A_113 = arith.constant 48 : i32
      %dma_wait3A_114 = arith.constant 0 : i32
      %dma_wait3A_115 = tpu.memref_slice %arg7[%dma_wait3A_113, %dma_wait3A_114] : memref<104x512xf32, #tpu.memory_space<vmem>> -> memref<56x512xf32, #tpu.memory_space<vmem>>
      %dma_wait3A_116 = arith.constant 48 : i32
      %dma_wait3A_117 = tpu.memref_slice %arg5[%dma_wait3A_116] : memref<104xi32, #tpu.memory_space<vmem>> -> memref<56xi32, #tpu.memory_space<vmem>>
      %dma_wait3A_118 = arith.constant 0 : i32
      %dma_wait3A_119 = arith.constant 0 : i32
      %dma_wait3A_120 = tpu.memref_slice %arg2[%dma_wait3A_118, %dma_wait3A_119] : memref<49408x512xf32, #tpu.memory_space<hbm>> -> memref<49408x512xf32, #tpu.memory_space<hbm>>
      tpu.wait_indirect_dma semaphore(%arg10 : memref<!tpu.dma_semaphore, #tpu.memory_space<semaphore_mem>>) src(%dma_wait3A_120 : memref<49408x512xf32, #tpu.memory_space<hbm>>) dst(%dma_wait3A_115 : memref<56x512xf32, #tpu.memory_space<vmem>>)
      %add3A_121 = arith.constant 2 : i32
      %add3A_122 = arith.addi %add3A_4, %add3A_121 : i32
      "tpu.region"() ({
        %run_scoped3A = tpu.sem_alloc : memref<!tpu.dma_semaphore, #tpu.memory_space<semaphore_mem>>
        %dma_start3A_123 = arith.constant 0 : i32
        %dma_start3A_124 = arith.constant 0 : i32
        %dma_start3A_125 = tpu.memref_slice %arg4[%add3A_122, %dma_start3A_123, %dma_start3A_124] : memref<77x104x512xf32, #tpu.memory_space<hbm>> -> memref<1x104x512xf32, #tpu.memory_space<hbm>>
        %dma_start3A_126 = tpu.memref_squeeze %dma_start3A_125 : memref<1x104x512xf32, #tpu.memory_space<hbm>> -> memref<104x512xf32, #tpu.memory_space<hbm>>
        %dma_start3A_127 = arith.constant 0 : i32
        %dma_start3A_128 = arith.constant 0 : i32
        %dma_start3A_129 = tpu.memref_slice %arg4[%add3A_122, %dma_start3A_127, %dma_start3A_128] : memref<77x104x512xf32, #tpu.memory_space<hbm>> -> memref<1x104x512xf32, #tpu.memory_space<hbm>>
        %dma_start3A_130 = tpu.memref_squeeze %dma_start3A_129 : memref<1x104x512xf32, #tpu.memory_space<hbm>> -> memref<104x512xf32, #tpu.memory_space<hbm>>
        tpu.enqueue_dma source(%arg7 : memref<104x512xf32, #tpu.memory_space<vmem>>) target(%dma_start3A_130 : memref<104x512xf32, #tpu.memory_space<hbm>>) target_semaphore(%run_scoped3A : memref<!tpu.dma_semaphore, #tpu.memory_space<semaphore_mem>>)
        %dma_wait3A_131 = arith.constant 0 : i32
        %dma_wait3A_132 = arith.constant 0 : i32
        %dma_wait3A_133 = tpu.memref_slice %arg4[%add3A_122, %dma_wait3A_131, %dma_wait3A_132] : memref<77x104x512xf32, #tpu.memory_space<hbm>> -> memref<1x104x512xf32, #tpu.memory_space<hbm>>
        %dma_wait3A_134 = tpu.memref_squeeze %dma_wait3A_133 : memref<1x104x512xf32, #tpu.memory_space<hbm>> -> memref<104x512xf32, #tpu.memory_space<hbm>>
        %dma_wait3A_135 = arith.constant 0 : i32
        %dma_wait3A_136 = arith.constant 0 : i32
        %dma_wait3A_137 = tpu.memref_slice %arg4[%add3A_122, %dma_wait3A_135, %dma_wait3A_136] : memref<77x104x512xf32, #tpu.memory_space<hbm>> -> memref<1x104x512xf32, #tpu.memory_space<hbm>>
        %dma_wait3A_138 = tpu.memref_squeeze %dma_wait3A_137 : memref<1x104x512xf32, #tpu.memory_space<hbm>> -> memref<104x512xf32, #tpu.memory_space<hbm>>
        tpu.wait_dma2 semaphore(%run_scoped3A : memref<!tpu.dma_semaphore, #tpu.memory_space<semaphore_mem>>) src(%arg7 : memref<104x512xf32, #tpu.memory_space<vmem>>) dst(%dma_wait3A_138 : memref<104x512xf32, #tpu.memory_space<hbm>>)
        tpu.yield
      }) : () -> ()
    } else {
    }
    %ge3A = arith.constant 13 : i32
    %ge3A_7 = arith.cmpi sge, %add3A, %ge3A : i32
    %convert_element_type3A_8 = arith.extui %ge3A_7 : i1 to i32
    %cond3A_9 = arith.constant 0 : i32
    %cond3A_10 = arith.cmpi ne, %convert_element_type3A_8, %cond3A_9 : i32
    scf.if %cond3A_10 {
      %add3A_11 = arith.constant 0 : i32
      %add3A_12 = arith.addi %add3A_4, %add3A_11 : i32
      %mul3A_13 = arith.constant 104 : i32
      %mul3A_14 = arith.muli %mul3A_13, %add3A_12 : i32
      "tpu.region"() ({
        %run_scoped3A = tpu.sem_alloc : memref<!tpu.dma_semaphore, #tpu.memory_space<semaphore_mem>>
        %dma_start3A_85 = tpu.memref_slice %arg3[%mul3A_14] : memref<8008xi32, #tpu.memory_space<hbm>> -> memref<104xi32, #tpu.memory_space<hbm>>
        %dma_start3A_86 = tpu.memref_slice %arg3[%mul3A_14] : memref<8008xi32, #tpu.memory_space<hbm>> -> memref<104xi32, #tpu.memory_space<hbm>>
        tpu.enqueue_dma source(%dma_start3A_86 : memref<104xi32, #tpu.memory_space<hbm>>) target(%arg5 : memref<104xi32, #tpu.memory_space<vmem>>) target_semaphore(%run_scoped3A : memref<!tpu.dma_semaphore, #tpu.memory_space<semaphore_mem>>)
        %dma_wait3A_87 = tpu.memref_slice %arg3[%mul3A_14] : memref<8008xi32, #tpu.memory_space<hbm>> -> memref<104xi32, #tpu.memory_space<hbm>>
        %dma_wait3A_88 = tpu.memref_slice %arg3[%mul3A_14] : memref<8008xi32, #tpu.memory_space<hbm>> -> memref<104xi32, #tpu.memory_space<hbm>>
        tpu.wait_dma2 semaphore(%run_scoped3A : memref<!tpu.dma_semaphore, #tpu.memory_space<semaphore_mem>>) src(%dma_wait3A_88 : memref<104xi32, #tpu.memory_space<hbm>>) dst(%arg5 : memref<104xi32, #tpu.memory_space<vmem>>)
        tpu.yield
      }) : () -> ()
      %dma_start3A = arith.constant 0 : i32
      %dma_start3A_15 = arith.constant 0 : i32
      %dma_start3A_16 = tpu.memref_slice %arg7[%dma_start3A, %dma_start3A_15] : memref<104x512xf32, #tpu.memory_space<vmem>> -> memref<48x512xf32, #tpu.memory_space<vmem>>
      %dma_start3A_17 = arith.constant 0 : i32
      %dma_start3A_18 = tpu.memref_slice %arg5[%dma_start3A_17] : memref<104xi32, #tpu.memory_space<vmem>> -> memref<48xi32, #tpu.memory_space<vmem>>
      %dma_start3A_19 = arith.constant 0 : i32
      %dma_start3A_20 = arith.constant 0 : i32
      %dma_start3A_21 = tpu.memref_slice %arg2[%dma_start3A_19, %dma_start3A_20] : memref<49408x512xf32, #tpu.memory_space<hbm>> -> memref<49408x512xf32, #tpu.memory_space<hbm>>
      tpu.enqueue_indirect_dma source(%dma_start3A_21 : memref<49408x512xf32, #tpu.memory_space<hbm>>) target(%dma_start3A_16 : memref<48x512xf32, #tpu.memory_space<vmem>>) offsets(%dma_start3A_18 : memref<48xi32, #tpu.memory_space<vmem>>) semaphore(%arg9 : memref<!tpu.dma_semaphore, #tpu.memory_space<semaphore_mem>>)
      %dma_start3A_22 = arith.constant 48 : i32
      %dma_start3A_23 = arith.constant 0 : i32
      %dma_start3A_24 = tpu.memref_slice %arg7[%dma_start3A_22, %dma_start3A_23] : memref<104x512xf32, #tpu.memory_space<vmem>> -> memref<56x512xf32, #tpu.memory_space<vmem>>
      %dma_start3A_25 = arith.constant 48 : i32
      %dma_start3A_26 = tpu.memref_slice %arg5[%dma_start3A_25] : memref<104xi32, #tpu.memory_space<vmem>> -> memref<56xi32, #tpu.memory_space<vmem>>
      %dma_start3A_27 = arith.constant 0 : i32
      %dma_start3A_28 = arith.constant 0 : i32
      %dma_start3A_29 = tpu.memref_slice %arg2[%dma_start3A_27, %dma_start3A_28] : memref<49408x512xf32, #tpu.memory_space<hbm>> -> memref<49408x512xf32, #tpu.memory_space<hbm>>
      tpu.enqueue_indirect_dma source(%dma_start3A_29 : memref<49408x512xf32, #tpu.memory_space<hbm>>) target(%dma_start3A_24 : memref<56x512xf32, #tpu.memory_space<vmem>>) offsets(%dma_start3A_26 : memref<56xi32, #tpu.memory_space<vmem>>) semaphore(%arg10 : memref<!tpu.dma_semaphore, #tpu.memory_space<semaphore_mem>>)
      %add3A_30 = arith.constant 1 : i32
      %add3A_31 = arith.addi %add3A_4, %add3A_30 : i32
      %mul3A_32 = arith.constant 104 : i32
      %mul3A_33 = arith.muli %mul3A_32, %add3A_31 : i32
      "tpu.region"() ({
        %run_scoped3A = tpu.sem_alloc : memref<!tpu.dma_semaphore, #tpu.memory_space<semaphore_mem>>
        %dma_start3A_85 = tpu.memref_slice %arg3[%mul3A_33] : memref<8008xi32, #tpu.memory_space<hbm>> -> memref<104xi32, #tpu.memory_space<hbm>>
        %dma_start3A_86 = tpu.memref_slice %arg3[%mul3A_33] : memref<8008xi32, #tpu.memory_space<hbm>> -> memref<104xi32, #tpu.memory_space<hbm>>
        tpu.enqueue_dma source(%dma_start3A_86 : memref<104xi32, #tpu.memory_space<hbm>>) target(%arg6 : memref<104xi32, #tpu.memory_space<vmem>>) target_semaphore(%run_scoped3A : memref<!tpu.dma_semaphore, #tpu.memory_space<semaphore_mem>>)
        %dma_wait3A_87 = tpu.memref_slice %arg3[%mul3A_33] : memref<8008xi32, #tpu.memory_space<hbm>> -> memref<104xi32, #tpu.memory_space<hbm>>
        %dma_wait3A_88 = tpu.memref_slice %arg3[%mul3A_33] : memref<8008xi32, #tpu.memory_space<hbm>> -> memref<104xi32, #tpu.memory_space<hbm>>
        tpu.wait_dma2 semaphore(%run_scoped3A : memref<!tpu.dma_semaphore, #tpu.memory_space<semaphore_mem>>) src(%dma_wait3A_88 : memref<104xi32, #tpu.memory_space<hbm>>) dst(%arg6 : memref<104xi32, #tpu.memory_space<vmem>>)
        tpu.yield
      }) : () -> ()
      %dma_start3A_34 = arith.constant 0 : i32
      %dma_start3A_35 = arith.constant 0 : i32
      %dma_start3A_36 = tpu.memref_slice %arg8[%dma_start3A_34, %dma_start3A_35] : memref<104x512xf32, #tpu.memory_space<vmem>> -> memref<48x512xf32, #tpu.memory_space<vmem>>
      %dma_start3A_37 = arith.constant 0 : i32
      %dma_start3A_38 = tpu.memref_slice %arg6[%dma_start3A_37] : memref<104xi32, #tpu.memory_space<vmem>> -> memref<48xi32, #tpu.memory_space<vmem>>
      %dma_start3A_39 = arith.constant 0 : i32
      %dma_start3A_40 = arith.constant 0 : i32
      %dma_start3A_41 = tpu.memref_slice %arg2[%dma_start3A_39, %dma_start3A_40] : memref<49408x512xf32, #tpu.memory_space<hbm>> -> memref<49408x512xf32, #tpu.memory_space<hbm>>
      tpu.enqueue_indirect_dma source(%dma_start3A_41 : memref<49408x512xf32, #tpu.memory_space<hbm>>) target(%dma_start3A_36 : memref<48x512xf32, #tpu.memory_space<vmem>>) offsets(%dma_start3A_38 : memref<48xi32, #tpu.memory_space<vmem>>) semaphore(%arg11 : memref<!tpu.dma_semaphore, #tpu.memory_space<semaphore_mem>>)
      %dma_start3A_42 = arith.constant 48 : i32
      %dma_start3A_43 = arith.constant 0 : i32
      %dma_start3A_44 = tpu.memref_slice %arg8[%dma_start3A_42, %dma_start3A_43] : memref<104x512xf32, #tpu.memory_space<vmem>> -> memref<56x512xf32, #tpu.memory_space<vmem>>
      %dma_start3A_45 = arith.constant 48 : i32
      %dma_start3A_46 = tpu.memref_slice %arg6[%dma_start3A_45] : memref<104xi32, #tpu.memory_space<vmem>> -> memref<56xi32, #tpu.memory_space<vmem>>
      %dma_start3A_47 = arith.constant 0 : i32
      %dma_start3A_48 = arith.constant 0 : i32
      %dma_start3A_49 = tpu.memref_slice %arg2[%dma_start3A_47, %dma_start3A_48] : memref<49408x512xf32, #tpu.memory_space<hbm>> -> memref<49408x512xf32, #tpu.memory_space<hbm>>
      tpu.enqueue_indirect_dma source(%dma_start3A_49 : memref<49408x512xf32, #tpu.memory_space<hbm>>) target(%dma_start3A_44 : memref<56x512xf32, #tpu.memory_space<vmem>>) offsets(%dma_start3A_46 : memref<56xi32, #tpu.memory_space<vmem>>) semaphore(%arg12 : memref<!tpu.dma_semaphore, #tpu.memory_space<semaphore_mem>>)
      %dma_wait3A = arith.constant 0 : i32
      %dma_wait3A_50 = arith.constant 0 : i32
      %dma_wait3A_51 = tpu.memref_slice %arg7[%dma_wait3A, %dma_wait3A_50] : memref<104x512xf32, #tpu.memory_space<vmem>> -> memref<48x512xf32, #tpu.memory_space<vmem>>
      %dma_wait3A_52 = arith.constant 0 : i32
      %dma_wait3A_53 = tpu.memref_slice %arg5[%dma_wait3A_52] : memref<104xi32, #tpu.memory_space<vmem>> -> memref<48xi32, #tpu.memory_space<vmem>>
      %dma_wait3A_54 = arith.constant 0 : i32
      %dma_wait3A_55 = arith.constant 0 : i32
      %dma_wait3A_56 = tpu.memref_slice %arg2[%dma_wait3A_54, %dma_wait3A_55] : memref<49408x512xf32, #tpu.memory_space<hbm>> -> memref<49408x512xf32, #tpu.memory_space<hbm>>
      tpu.wait_indirect_dma semaphore(%arg9 : memref<!tpu.dma_semaphore, #tpu.memory_space<semaphore_mem>>) src(%dma_wait3A_56 : memref<49408x512xf32, #tpu.memory_space<hbm>>) dst(%dma_wait3A_51 : memref<48x512xf32, #tpu.memory_space<vmem>>)
      %dma_wait3A_57 = arith.constant 48 : i32
      %dma_wait3A_58 = arith.constant 0 : i32
      %dma_wait3A_59 = tpu.memref_slice %arg7[%dma_wait3A_57, %dma_wait3A_58] : memref<104x512xf32, #tpu.memory_space<vmem>> -> memref<56x512xf32, #tpu.memory_space<vmem>>
      %dma_wait3A_60 = arith.constant 48 : i32
      %dma_wait3A_61 = tpu.memref_slice %arg5[%dma_wait3A_60] : memref<104xi32, #tpu.memory_space<vmem>> -> memref<56xi32, #tpu.memory_space<vmem>>
      %dma_wait3A_62 = arith.constant 0 : i32
      %dma_wait3A_63 = arith.constant 0 : i32
      %dma_wait3A_64 = tpu.memref_slice %arg2[%dma_wait3A_62, %dma_wait3A_63] : memref<49408x512xf32, #tpu.memory_space<hbm>> -> memref<49408x512xf32, #tpu.memory_space<hbm>>
      tpu.wait_indirect_dma semaphore(%arg10 : memref<!tpu.dma_semaphore, #tpu.memory_space<semaphore_mem>>) src(%dma_wait3A_64 : memref<49408x512xf32, #tpu.memory_space<hbm>>) dst(%dma_wait3A_59 : memref<56x512xf32, #tpu.memory_space<vmem>>)
      %add3A_65 = arith.constant 0 : i32
      %add3A_66 = arith.addi %add3A_4, %add3A_65 : i32
      "tpu.region"() ({
        %run_scoped3A = tpu.sem_alloc : memref<!tpu.dma_semaphore, #tpu.memory_space<semaphore_mem>>
        %dma_start3A_85 = arith.constant 0 : i32
        %dma_start3A_86 = arith.constant 0 : i32
        %dma_start3A_87 = tpu.memref_slice %arg4[%add3A_66, %dma_start3A_85, %dma_start3A_86] : memref<77x104x512xf32, #tpu.memory_space<hbm>> -> memref<1x104x512xf32, #tpu.memory_space<hbm>>
        %dma_start3A_88 = tpu.memref_squeeze %dma_start3A_87 : memref<1x104x512xf32, #tpu.memory_space<hbm>> -> memref<104x512xf32, #tpu.memory_space<hbm>>
        %dma_start3A_89 = arith.constant 0 : i32
        %dma_start3A_90 = arith.constant 0 : i32
        %dma_start3A_91 = tpu.memref_slice %arg4[%add3A_66, %dma_start3A_89, %dma_start3A_90] : memref<77x104x512xf32, #tpu.memory_space<hbm>> -> memref<1x104x512xf32, #tpu.memory_space<hbm>>
        %dma_start3A_92 = tpu.memref_squeeze %dma_start3A_91 : memref<1x104x512xf32, #tpu.memory_space<hbm>> -> memref<104x512xf32, #tpu.memory_space<hbm>>
        tpu.enqueue_dma source(%arg7 : memref<104x512xf32, #tpu.memory_space<vmem>>) target(%dma_start3A_92 : memref<104x512xf32, #tpu.memory_space<hbm>>) target_semaphore(%run_scoped3A : memref<!tpu.dma_semaphore, #tpu.memory_space<semaphore_mem>>)
        %dma_wait3A_93 = arith.constant 0 : i32
        %dma_wait3A_94 = arith.constant 0 : i32
        %dma_wait3A_95 = tpu.memref_slice %arg4[%add3A_66, %dma_wait3A_93, %dma_wait3A_94] : memref<77x104x512xf32, #tpu.memory_space<hbm>> -> memref<1x104x512xf32, #tpu.memory_space<hbm>>
        %dma_wait3A_96 = tpu.memref_squeeze %dma_wait3A_95 : memref<1x104x512xf32, #tpu.memory_space<hbm>> -> memref<104x512xf32, #tpu.memory_space<hbm>>
        %dma_wait3A_97 = arith.constant 0 : i32
        %dma_wait3A_98 = arith.constant 0 : i32
        %dma_wait3A_99 = tpu.memref_slice %arg4[%add3A_66, %dma_wait3A_97, %dma_wait3A_98] : memref<77x104x512xf32, #tpu.memory_space<hbm>> -> memref<1x104x512xf32, #tpu.memory_space<hbm>>
        %dma_wait3A_100 = tpu.memref_squeeze %dma_wait3A_99 : memref<1x104x512xf32, #tpu.memory_space<hbm>> -> memref<104x512xf32, #tpu.memory_space<hbm>>
        tpu.wait_dma2 semaphore(%run_scoped3A : memref<!tpu.dma_semaphore, #tpu.memory_space<semaphore_mem>>) src(%arg7 : memref<104x512xf32, #tpu.memory_space<vmem>>) dst(%dma_wait3A_100 : memref<104x512xf32, #tpu.memory_space<hbm>>)
        tpu.yield
      }) : () -> ()
      %dma_wait3A_67 = arith.constant 0 : i32
      %dma_wait3A_68 = arith.constant 0 : i32
      %dma_wait3A_69 = tpu.memref_slice %arg8[%dma_wait3A_67, %dma_wait3A_68] : memref<104x512xf32, #tpu.memory_space<vmem>> -> memref<48x512xf32, #tpu.memory_space<vmem>>
      %dma_wait3A_70 = arith.constant 0 : i32
      %dma_wait3A_71 = tpu.memref_slice %arg6[%dma_wait3A_70] : memref<104xi32, #tpu.memory_space<vmem>> -> memref<48xi32, #tpu.memory_space<vmem>>
      %dma_wait3A_72 = arith.constant 0 : i32
      %dma_wait3A_73 = arith.constant 0 : i32
      %dma_wait3A_74 = tpu.memref_slice %arg2[%dma_wait3A_72, %dma_wait3A_73] : memref<49408x512xf32, #tpu.memory_space<hbm>> -> memref<49408x512xf32, #tpu.memory_space<hbm>>
      tpu.wait_indirect_dma semaphore(%arg11 : memref<!tpu.dma_semaphore, #tpu.memory_space<semaphore_mem>>) src(%dma_wait3A_74 : memref<49408x512xf32, #tpu.memory_space<hbm>>) dst(%dma_wait3A_69 : memref<48x512xf32, #tpu.memory_space<vmem>>)
      %dma_wait3A_75 = arith.constant 48 : i32
      %dma_wait3A_76 = arith.constant 0 : i32
      %dma_wait3A_77 = tpu.memref_slice %arg8[%dma_wait3A_75, %dma_wait3A_76] : memref<104x512xf32, #tpu.memory_space<vmem>> -> memref<56x512xf32, #tpu.memory_space<vmem>>
      %dma_wait3A_78 = arith.constant 48 : i32
      %dma_wait3A_79 = tpu.memref_slice %arg6[%dma_wait3A_78] : memref<104xi32, #tpu.memory_space<vmem>> -> memref<56xi32, #tpu.memory_space<vmem>>
      %dma_wait3A_80 = arith.constant 0 : i32
      %dma_wait3A_81 = arith.constant 0 : i32
      %dma_wait3A_82 = tpu.memref_slice %arg2[%dma_wait3A_80, %dma_wait3A_81] : memref<49408x512xf32, #tpu.memory_space<hbm>> -> memref<49408x512xf32, #tpu.memory_space<hbm>>
      tpu.wait_indirect_dma semaphore(%arg12 : memref<!tpu.dma_semaphore, #tpu.memory_space<semaphore_mem>>) src(%dma_wait3A_82 : memref<49408x512xf32, #tpu.memory_space<hbm>>) dst(%dma_wait3A_77 : memref<56x512xf32, #tpu.memory_space<vmem>>)
      %add3A_83 = arith.constant 1 : i32
      %add3A_84 = arith.addi %add3A_4, %add3A_83 : i32
      "tpu.region"() ({
        %run_scoped3A = tpu.sem_alloc : memref<!tpu.dma_semaphore, #tpu.memory_space<semaphore_mem>>
        %dma_start3A_85 = arith.constant 0 : i32
        %dma_start3A_86 = arith.constant 0 : i32
        %dma_start3A_87 = tpu.memref_slice %arg4[%add3A_84, %dma_start3A_85, %dma_start3A_86] : memref<77x104x512xf32, #tpu.memory_space<hbm>> -> memref<1x104x512xf32, #tpu.memory_space<hbm>>
        %dma_start3A_88 = tpu.memref_squeeze %dma_start3A_87 : memref<1x104x512xf32, #tpu.memory_space<hbm>> -> memref<104x512xf32, #tpu.memory_space<hbm>>
        %dma_start3A_89 = arith.constant 0 : i32
        %dma_start3A_90 = arith.constant 0 : i32
        %dma_start3A_91 = tpu.memref_slice %arg4[%add3A_84, %dma_start3A_89, %dma_start3A_90] : memref<77x104x512xf32, #tpu.memory_space<hbm>> -> memref<1x104x512xf32, #tpu.memory_space<hbm>>
        %dma_start3A_92 = tpu.memref_squeeze %dma_start3A_91 : memref<1x104x512xf32, #tpu.memory_space<hbm>> -> memref<104x512xf32, #tpu.memory_space<hbm>>
        tpu.enqueue_dma source(%arg8 : memref<104x512xf32, #tpu.memory_space<vmem>>) target(%dma_start3A_92 : memref<104x512xf32, #tpu.memory_space<hbm>>) target_semaphore(%run_scoped3A : memref<!tpu.dma_semaphore, #tpu.memory_space<semaphore_mem>>)
        %dma_wait3A_93 = arith.constant 0 : i32
        %dma_wait3A_94 = arith.constant 0 : i32
        %dma_wait3A_95 = tpu.memref_slice %arg4[%add3A_84, %dma_wait3A_93, %dma_wait3A_94] : memref<77x104x512xf32, #tpu.memory_space<hbm>> -> memref<1x104x512xf32, #tpu.memory_space<hbm>>
        %dma_wait3A_96 = tpu.memref_squeeze %dma_wait3A_95 : memref<1x104x512xf32, #tpu.memory_space<hbm>> -> memref<104x512xf32, #tpu.memory_space<hbm>>
        %dma_wait3A_97 = arith.constant 0 : i32
        %dma_wait3A_98 = arith.constant 0 : i32
        %dma_wait3A_99 = tpu.memref_slice %arg4[%add3A_84, %dma_wait3A_97, %dma_wait3A_98] : memref<77x104x512xf32, #tpu.memory_space<hbm>> -> memref<1x104x512xf32, #tpu.memory_space<hbm>>
        %dma_wait3A_100 = tpu.memref_squeeze %dma_wait3A_99 : memref<1x104x512xf32, #tpu.memory_space<hbm>> -> memref<104x512xf32, #tpu.memory_space<hbm>>
        tpu.wait_dma2 semaphore(%run_scoped3A : memref<!tpu.dma_semaphore, #tpu.memory_space<semaphore_mem>>) src(%arg8 : memref<104x512xf32, #tpu.memory_space<vmem>>) dst(%dma_wait3A_100 : memref<104x512xf32, #tpu.memory_space<hbm>>)
        tpu.yield
      }) : () -> ()
    } else {
    }
    return
  }
}

</mosaic_0001>

<sc_bundles>
// kernel: kernel.3.cloned.1.call-start
scs
__scs_entry_jumppad:
0x0: {  	(pc) =	sbr.rel $0x88, $3  }
0x1: {  	(tag) =	ssettag $0x0;
	lr =	simm.s32 $0x1  }
0x2: {  	[smem:$0x3F9F] =	sst lr;
	_ =	strace $0xD0000000  }
0x3: {  	_ = 	snop  }
0x4: {  	_ = 	snop  }
0x5: {  	_ = 	snop  }
0x6: {  	_ = 	snop  }
0x7: {  	_ = 	snop  }
__scs_overlays_trampoline_lowered:
0x8: {  	[smem:$0x3FAE] =	sst s0  }
0x9: {  	[smem:$0x3FAF] =	sst s1  }
0xa: {  	[smem:$0x3FB0] =	sst s2  }
0xb: {  	[smem:$0x3FB1] =	sst s3  }
0xc: {  	[smem:$0x3FB2] =	sst s4  }
0xd: {  	[smem:$0x3FB3] =	sst s5  }
0xe: {  	[smem:$0x3FB4] =	sst s6  }
0xf: {  	[smem:$0x3FB5] =	sst s7  }
0x10: {  	[smem:$0x3FB6] =	sst s8  }
0x11: {  	[smem:$0x3FB7] =	sst s9;
	s0 =	simm.s32 @!p0 $0x0  }
0x12: {  	s1 =	sld [smem:$0x3F9D];
	s0 =	simm.s32 @p0 $0x1  }
0x13: {  	[smem:$0x3FB8] =	sst s0;
	s0 =	simm.s32 @!p1 $0x0  }
0x14: {  	s2 =	sld [smem:$0x3F9C];
	s0 =	simm.s32 @p1 $0x1  }
0x15: {  	[smem:$0x3FB9] =	sst s0;
	s0 =	simm.s32 @!p2 $0x0  }
0x16: {  	s3 =	sld [smem:$0x3FDB];
	s0 =	simm.s32 @p2 $0x1  }
0x17: {  	s4 =	simm.s32 $0x1BF5;
	[smem:$0x3FBB] =	sst s0  }
0x18: {  	s0 =	sld [smem:$0x3F9E];
	_ =	swait.ge [sflag:s4], $0x0  }
0x19: {  	s7 =	sld [smem:$0x3F9F]  }
0x1a: {  	s8 =	sadd.s32 $0xFFFFE003, lr  }
0x1b: {  	s9 =	sadd.s32 $0xFFFFFEF7, lr;
	s5 =	simm.s32 $0xFFFFFFFF;
	p2 =	slt.u32 s8, $0xFFFFF086  }
0x1c: {  	p1 =	slt.u32 s9, $0xF7A;
	s5 =	simm.s32 @!p2 $0x0  }
0x1d: {  	s5 =	simm.s32 @p1 $0x1;
	p0 =	seq.s32 s7, s2  }
0x1e: {  	s7 =	smul.u32 @!p0 $0xF7A, s2;
	p2 =	seq.s32 @!p0 s5, $0x0  }
0x1f: {  	s9 =	smul.u32 $0xF7A, s1;
	s8 =	simm.s32 @!p0 $0x1BF5;
	p2 =	por !p2, p0  }
0x20: {  	[sflag:s8] =	ssyncset.s32 @!p0 $0xFFFFF086;
	s6 =	sadd.s32 @!p0 s3, s7;
	s7 =	simm.s32 @!p0 $0x108  }
0x21: {  	s3 =	sadd.s32 s3, s9;
	s6 =	sadd.s32 @!p0 $0x88, s6;
	s7 =	simm.s32 @p2 $0x1082  }
0x22: {  	[simem:s7], [sflag:s8] =	dma.local @!p0 [hbm:s6], $0xF7A  }
0x23: {  	s9 =	sor.u32 $0xD0000000, s2;
	s6 =	simm.s32 $0x108;
	_ =	swait.ge @!p0 [sflag:s8], $0x0  }
0x24: {  	s3 =	sadd.s32 $0x88, s3;
	s6 =	simm.s32 @!p1 $0x1082;
	[sflag:s4] =	ssyncset.s32 $0xFFFFF086  }
0x25: {  	[simem:s6], [sflag:s4] =	dma.local [hbm:s3], $0xF7A  }
0x26: {  	[smem:$0x3F9F] =	sst s1;
	(tag) =	ssettag s2;
	_ =	strace s9  }
0x27: {  	s1 =	sld [smem:$0x3FAF]  }
0x28: {  	s2 =	sld [smem:$0x3FB0]  }
0x29: {  	s4 =	sld [smem:$0x3FB2]  }
0x2a: {  	p0 =	seq.s32 s5, $0x0;
	s5 =	sld [smem:$0x3FB3]  }
0x2b: {  	s6 =	sld [smem:$0x3FB4]  }
0x2c: {  	s7 =	sld [smem:$0x3FB5]  }
0x2d: {  	s3 =	simm.s32 $0x108;
	s8 =	sld [smem:$0x3FB6]  }
0x2e: {  	s3 =	simm.s32 @!p0 $0x1082;
	s9 =	sld [smem:$0x3FB7]  }
0x2f: {  	lr =	sadd.s32 s0, s3;
	s0 =	sld [smem:$0x3FAE]  }
0x30: {  	s3 =	sld [smem:$0x3FB1]  }
0x31: {  	[smem:$0x3FBA] =	sst s10  }
0x32: {  	s10 =	sld [smem:$0x3FB8];
	_ =	sdelay $0x3  }
0x33: {  	p0 =	seq.s32 s10, $0x1;
	s10 =	sld [smem:$0x3FBA];
	_ =	sdelay $0x3  }
0x34: {  	[smem:$0x3FBA] =	sst s10  }
0x35: {  	s10 =	sld [smem:$0x3FB9];
	_ =	sdelay $0x3  }
0x36: {  	p1 =	seq.s32 s10, $0x1;
	s10 =	sld [smem:$0x3FBA];
	_ =	sdelay $0x3  }
0x37: {  	[smem:$0x3FBA] =	sst s10  }
0x38: {  	s10 =	sld [smem:$0x3FBB]  }
0x39: {  	_ = 	snop;
	(pc) =	sbr.ind lr, $3  }
0x3a: {  	_ = 	snop  }
0x3b: {  	_ = 	snop  }
0x3c: {  	p2 =	seq.s32 s10, $0x1;
	s10 =	sld [smem:$0x3FBA]  }
0x3d: {  	_ =	shalt  }
0x3e: {  	_ =	shalt  }
0x3f: {  	_ =	shalt  }
0x40: {  	_ =	shalt  }
0x41: {  	_ =	shalt  }
0x42: {  	_ =	shalt  }
0x43: {  	_ =	shalt  }
0x44: {  	_ =	shalt  }
0x45: {  	_ =	shalt  }
0x46: {  	_ =	shalt  }
0x47: {  	_ =	shalt  }
0x48: {  	_ =	shalt  }
0x49: {  	_ =	shalt  }
0x4a: {  	_ =	shalt  }
0x4b: {  	_ =	shalt  }
0x4c: {  	_ =	shalt  }
0x4d: {  	_ =	shalt  }
0x4e: {  	_ =	shalt  }
0x4f: {  	_ =	shalt  }
0x50: {  	_ =	shalt  }
0x51: {  	_ =	shalt  }
0x52: {  	_ =	shalt  }
0x53: {  	_ =	shalt  }
0x54: {  	_ =	shalt  }
0x55: {  	_ =	shalt  }
0x56: {  	_ =	shalt  }
0x57: {  	_ =	shalt  }
0x58: {  	_ =	shalt  }
0x59: {  	_ =	shalt  }
0x5a: {  	_ =	shalt  }
0x5b: {  	_ =	shalt  }
0x5c: {  	_ =	shalt  }
0x5d: {  	_ =	shalt  }
0x5e: {  	_ =	shalt  }
0x5f: {  	_ =	shalt  }
0x60: {  	_ =	shalt  }
0x61: {  	_ =	shalt  }
0x62: {  	_ =	shalt  }
0x63: {  	_ =	shalt  }
0x64: {  	_ =	shalt  }
0x65: {  	_ =	shalt  }
0x66: {  	_ =	shalt  }
0x67: {  	_ =	shalt  }
0x68: {  	_ =	shalt  }
0x69: {  	_ =	shalt  }
0x6a: {  	_ =	shalt  }
0x6b: {  	_ =	shalt  }
0x6c: {  	_ =	shalt  }
0x6d: {  	_ =	shalt  }
0x6e: {  	_ =	shalt  }
0x6f: {  	_ =	shalt  }
0x70: {  	_ =	shalt  }
0x71: {  	_ =	shalt  }
0x72: {  	_ =	shalt  }
0x73: {  	_ =	shalt  }
0x74: {  	_ =	shalt  }
0x75: {  	_ =	shalt  }
0x76: {  	_ =	shalt  }
0x77: {  	_ =	shalt  }
0x78: {  	_ =	shalt  }
0x79: {  	_ =	shalt  }
0x7a: {  	_ =	shalt  }
0x7b: {  	_ =	shalt  }
0x7c: {  	_ =	shalt  }
0x7d: {  	_ =	shalt  }
0x7e: {  	_ =	shalt  }
0x7f: {  	_ =	shalt  }
0x80: {  	_ =	shalt  }
0x81: {  	_ =	shalt  }
0x82: {  	_ =	shalt  }
0x83: {  	_ =	shalt  }
0x84: {  	_ =	shalt  }
0x85: {  	_ =	shalt  }
0x86: {  	_ =	shalt  }
0x87: {  	_ =	shalt  }
.Lfunc_end0:
.L_simem_size_0:
called_computation_lowered:
.L_overlay_start_0:
0x88: {  	s2 =	sld [smem:$0x3FD9]  }
0x89: {  	s3 =	sld [smem:$0x3FFE];
	_ =	sdelay $0x1  }
0x8a: {  	s1 =	srdreg.scid  }
0x8b: {  	s0 =	sand.u32 $0x1, s1  }
0x8c: {  	s17 =	sshll.u32 s0, $0xA;
	s2 =	sadd.s32 s3, s2  }
0x8d: {  	s2 =	sadd.s32 s2, s17  }
0x8e: {  	[smem:$0x3FC6] =	sst s2  }
0x8f: {  	_ = 	snop  }
0x90: {  	s2 =	sld [smem:$0x3FC8]  }
0x91: {  	s18 =	sld [smem:$0x3FD0];
	(tm) =	ssettm $0x1  }
0x92: {  	s4 =	sld [smem:$0x3FFB];
	_ =	sdelay $0x3  }
0x93: {  	_ =	strace s4  }
0x94: {  	s4 =	sld [smem:$0x3FFC];
	_ =	sdelay $0x3  }
0x95: {  	_ =	strace s4  }
0x96: {  	s4 =	sld [smem:$0x3FFD];
	_ =	sdelay $0x3  }
0x97: {  	_ =	strace s4  }
0x98: {  	_ =	strace $0x8FFFFFFF  }
0x99: {  	s19 =	sld [smem:$0x3FDB];
	_ =	sdelay $0x1  }
0x9a: {  	s5 =	simm.s32 $_scs_section_size  }
0x9b: {  	s6 =	simm.s32 $_size__tile_overlayer_lowered;
	s7 =	simm.s32 $_tile_overlayer_lowered  }
0x9c: {  	s22 =	simm.s32 $0x1BFF;
	s21 =	sshll.u32 s7, $0x1;
	s4 =	sadd.s32 s5, s19  }
0x9d: {  	s8 =	simm.s32 $0x0;
	s20 =	sshll.u32 s6, $0x1;
	s6 =	sadd.s32 s21, s4  }
0x9e: {  	[timem:s8], [sflag:s22] =	dma.local [hbm:s6], s20  }
0x9f: {  	_ =	swait.ge [sflag:s22], s20  }
0xa0: {  	s5 =	ssub.s32 $0x0, s20;
	[sflag:s22] =	ssyncset.done $0x0  }
0xa1: {  	[sflag:s22] =	ssyncadd.s32 s5;
	_ =	sdelay $0x1  }
0xa2: {  	s23 =	simm.s32 $0x1B8B  }
0xa3: {  	_ =	swait.ge [sflag:s23], $0x1  }
0xa4: {  	[sflag:s23] =	ssyncset.done $0x0  }
0xa5: {  	s25 =	simm.s32 $0x1B8E;
	s24 =	sld [smem:$0x3FFE];
	[sflag:s23] =	ssyncadd.s32 $0xFFFFFFFF  }
0xa6: {  	s26 =	simm.s32 $execute0_lowered;
	[smem:$0x3FD2] =	sst s25  }
0xa7: {  	s6 =	sshll.u32 s26, $0x1;
	_ =	strace $0x80000046;
	[dreg:$0x1] =	wrdreg $0xFFFFFFFF  }
0xa8: {  	s28 =	simm.s32 $_size_execute0_lowered;
	s4 =	sadd.s32 s4, s6;
	[dreg:$0x0] =	wrdreg $0x0  }
0xa9: {  	s6 =	sshll.u32 s28, $0x1;
	[dreg:$0x2] =	wrdreg s4  }
0xaa: {  	[dreg:$0x3] =	wrdreg s6  }
0xab: {  	[dreg:$0x4] =	wrdreg $0xC0  }
0xac: {  	_ =	task [dreg:s8], $0x5FFFF  }
0xad: {  	[dreg:$0x1] =	wrdreg $0xFFFFFFFF  }
0xae: {  	[dreg:$0x0] =	wrdreg $0x60  }
0xaf: {  	[dreg:$0x2] =	wrdreg s2  }
0xb0: {  	[dreg:$0x3] =	wrdreg s24  }
0xb1: {  	[dreg:$0x4] =	wrdreg s18  }
0xb2: {  	[dreg:$0x5] =	wrdreg $0x9  }
0xb3: {  	_ =	task.clear_ibuf [dreg:s8], $0x6FFFF;
	_ =	strace $0x90000046  }
0xb4: {  	s29 =	simm.s32 $0x9;
	_ =	strace $0x80000048  }
0xb5: {  	_ =	swait.ge [sflag:s29], $0x1  }
0xb6: {  	[sflag:s29] =	ssyncadd.s32 $0xFFFFFFFF  }
0xb7: {  	_ =	strace $0x90000048  }
0xb8: {  	_ =	sfence  }
0xb9: {  	s30 =	sld [smem:$0x0];
	_ =	sdelay $0x2  }
0xba: {  	s31 =	sshll.u32 s1, $0xD;
	s1 =	sshrl.u32 s1, $0x2  }
0xbb: {  	s3 =	sand.u32 $0x4000, s31;
	s1 =	sadd.s32 s1, s30  }
0xbc: {  	s0 =	sor.u32 s3, s0;
	s1 =	sshll.u32 s1, $0x11  }
0xbd: {  	s0 =	sor.u32 s1, s0  }
0xbe: {  	s0 =	sadd.s32 $0x8F2B, s0  }
0xbf: {  	[sflag:s0] =	ssyncadd.remote.s32 $0x1  }
0xc0: {  	_ =	sfence.sel $0xFFFF  }
0xc1: {  	[dreg:$0x0] =	wrdreg $0xFFFFFFFF;
	(pc) =	sbr.abs _section_cstart, $3  }
0xc2: {  	[dreg:$0x1] =	wrdreg $0xFFFFFFFF  }
0xc3: {  	_ =	task.clear_ibuf [dreg:s8], $0x2FFFF;
	_ =	strace $0x9FFFFFFF  }
0xc4: {  	(tm) =	ssettm $0x7FFFFFFF  }
0xc5: {  	_ =	shalt  }
tec
execute0_lowered:
.L_overlay_start_1:
0x0: {  	(tag) =	ssettag $0x1  }
0x1: {  	s0 =	srdreg.scid  }
0x2: {  	s1 =	stileid.u32;
	s4 =	rddreg [dreg:$0x1]  }
0x3: {  	s7 =	rddreg [dreg:$0x2];
	s12 =	simm.s32 $0x5;
	s13 =	simm.s32 $0x100  }
0x4: {  	s28 =	simm.s32 $0x7100;
	s29 =	simm.s32 $0x7900;
	s30 =	simm.s32 $0x8100  }
0x5: {  	s31 =	simm.s32 $0x8900;
	s10 =	simm.s32 $0xA900;
	s14 =	simm.s32 $0xB100  }
0x6: {  	s15 =	simm.s32 $0xB900;
	s16 =	simm.s32 $0xC100;
	s17 =	simm.s32 $0xC900  }
0x7: {  	s18 =	simm.s32 $0x1;
	s19 =	simm.s32 $0x2;
	s20 =	simm.s32 $0x3  }
0x8: {  	s21 =	simm.s32 $0x4;
	s0 =	sand.u32 $0x1, s0;
	s2 =	sshll.u32 s1, $0x1  }
0x9: {  	s22 =	simm.s32 $0xD100;
	s1 =	rddreg [dreg:$0x0];
	s2 =	sor.u32 s0, s2  }
0xa: {  	s0 =	ssub.s32 $0x2, s0;
	s3 =	sshll.u32 s2, $0x1;
	s5 =	smin.u32 s2, $0xD  }
0xb: {  	s25 =	sshrl.u32 s0, $0x1;
	p0 =	sgt.u32 s2, $0xC;
	s5 =	sadd.s32 s5, s3  }
0xc: {  	s2 =	simm.s32 $0x9100;
	s3 =	simm.s32 $0x0;
	s6 =	smul.u32 $0xD, s5  }
0xd: {  	s0 =	ssub.s32 s0, s25;
	[smem:$0x7FF] =	sst s3;
	s9 =	smul.u32 $0x1A00, s5  }
.Ltmp0:
0xe: {  	s5 =	sadd.s32 $0x100, s1;
	s11 =	smax.u32 s0, $0x1;
	(pc) =	sbr.rel .LBB2_1-.Ltmp0, $4  }
0xf: {  	s0 =	simm.s32 $0x9900;
	s8 =	sadd.s32 s6, s4;
	s7 =	sadd.s32 s7, s9  }
0x10: {  	v2 =	vlaneseq.u32;
	s4 =	sadd.s32 $0x400, s8;
	s6 =	sadd.s32 $0x40D, s8;
	s8 =	sadd.s32 $0x41A, s8  }
0x11: {  	vm0 =	vmmov $0xffff;
	v1 =	vshrl.u32 v2, $0x3;
	_ =	strace $0x80000047;
	s26 =	sadd.s32 $0x3400, s7;
	[dreg:$0x4] =	wrdreg s8  }
0x12: {  	v0 =	vand.u32 $0x7, v2;
	v2 =	vor.u32 $0x8, v2;
	v1 =	vmul.u32 $0x8, v1;
	s9 =	simm.s32 $0xA100;
	s25 =	sadd.s32 $0x1A00, s7;
	[dreg:$0x5] =	wrdreg s26  }
.LBB2_3:
0x13: {  	_ =	swait.ge [sflag:s26], $0x6000  }
0x14: {  	[sflag:s26] =	ssyncset.done $0x0  }
0x15: {  	[sflag:s26] =	ssyncadd.s32 $0xFFFFA000  }
0x16: {  	s11 =	sadd.s32 $0xFFFFFFFF, s11;
	_ =	swait.ge [sflag:s24], $0x7000  }
0x17: {  	p1 =	sne.s32 s11, $0x0;
	[sflag:s24] =	ssyncset.done $0x0  }
.Ltmp1:
0x18: {  	[sflag:s24] =	ssyncadd.s32 $0xFFFF9000;
	(pc) =	sbr.rel @!p1 .LBB2_4-.Ltmp1, $4  }
0x19: {  	[hbm4b:s8+s3] =	stream.linear.scatter [tilespmem:s23], [sflag:$0x5], $0xD000, $0x38;
	[tilespmem:$0x1A100] =	vst v63  }
0x1a: {  	_ =	swait.ge [sflag:s12], $0xD000  }
0x1b: {  	[sflag:s12] =	ssyncset.done $0x0  }
0x1c: {  	[sflag:s12] =	ssyncadd.s32 $0xFFFF3000  }
.LBB2_1:
0x1d: {  	[tilespmem:s3], [sflag:$0x5] =	stream.linear.gather [hbm4b:s4+s3], $0x68, $0x38;
	[tilespmem:$0x1A100] =	vst v63  }
0x1e: {  	_ =	swait.ge [sflag:s12], $0x68  }
0x1f: {  	[sflag:s12] =	ssyncset.done $0x0  }
0x20: {  	[sflag:s12] =	ssyncadd.s32 $0xFFFFFF98  }
0x21: {  	v3 =	vld [tilespmem:$0x0];
	_ =	sdelay $0x4  }
0x22: {  	v4 =	vshll.u32 v3, $0x2  }
0x23: {  	v3 =	vand.u32 $0x7, v3;
	v4 =	vand.u32 $0xFFFFFFE0, v4  }
0x24: {  	v3 =	vor.u32 v3, v4  }
0x25: {  	v4 =	vperm.xlane v3, v0;
	_ =	sdelay $0x1  }
0x26: {  	v4 =	vadd.s32 v1, v4;
	_ =	sdelay $0x1  }
0x27: {  	v3 =	vperm.xlane v3, v2;
	_ =	sdelay $0x1  }
0x28: {  	v3 =	vadd.s32 v1, v3  }
0x29: {  	[tilespmem:s13], [sflag:$0x1] =	stream.indirect_vreg.gather [hbm4b:s1+s3], $0x80, v4, vm0, $0xb8;
	[tilespmem:$0x1A100] =	vst v63  }
0x2a: {  	s8 =	simm.s32 $0x900  }
0x2b: {  	[tilespmem:s8], [sflag:$0x1] =	stream.indirect_vreg.gather [hbm4b:s5+s3], $0x80, v4, vm0, $0xb8;
	[tilespmem:$0x1A100] =	vst v63  }
0x2c: {  	s24 =	simm.s32 $0x1100  }
0x2d: {  	[tilespmem:s24], [sflag:$0x1] =	stream.indirect_vreg.gather [hbm4b:s1+s3], $0x80, v3, vm0, $0xb8;
	[tilespmem:$0x1A100] =	vst v63  }
0x2e: {  	s26 =	simm.s32 $0x1900  }
0x2f: {  	[tilespmem:s26], [sflag:$0x1] =	stream.indirect_vreg.gather [hbm4b:s5+s3], $0x80, v3, vm0, $0xb8;
	[tilespmem:$0x1A100] =	vst v63  }
0x30: {  	v3 =	vld [tilespmem:$0x10];
	_ =	sdelay $0x4  }
0x31: {  	v51 =	vshll.u32 v3, $0x2  }
0x32: {  	v3 =	vand.u32 $0x7, v3;
	v4 =	vand.u32 $0xFFFFFFE0, v51  }
0x33: {  	v3 =	vor.u32 v3, v4  }
0x34: {  	v4 =	vperm.xlane v3, v0;
	_ =	sdelay $0x1  }
0x35: {  	v4 =	vadd.s32 v1, v4;
	_ =	sdelay $0x1  }
0x36: {  	v3 =	vperm.xlane v3, v2;
	_ =	sdelay $0x1  }
0x37: {  	s23 =	simm.s32 $0x2100;
	v3 =	vadd.s32 v1, v3  }
0x38: {  	[tilespmem:s23], [sflag:$0x1] =	stream.indirect_vreg.gather [hbm4b:s1+s3], $0x80, v4, vm0, $0xb8;
	[tilespmem:$0x1A100] =	vst v63  }
0x39: {  	s24 =	simm.s32 $0x2900  }
0x3a: {  	[tilespmem:s24], [sflag:$0x1] =	stream.indirect_vreg.gather [hbm4b:s5+s3], $0x80, v4, vm0, $0xb8;
	[tilespmem:$0x1A100] =	vst v63  }
0x3b: {  	s26 =	simm.s32 $0x3100  }
0x3c: {  	[tilespmem:s26], [sflag:$0x1] =	stream.indirect_vreg.gather [hbm4b:s1+s3], $0x80, v3, vm0, $0xb8;
	[tilespmem:$0x1A100] =	vst v63  }
0x3d: {  	s23 =	simm.s32 $0x3900  }
0x3e: {  	[tilespmem:s23], [sflag:$0x1] =	stream.indirect_vreg.gather [hbm4b:s5+s3], $0x80, v3, vm0, $0xb8;
	[tilespmem:$0x1A100] =	vst v63  }
0x3f: {  	v3 =	vld [tilespmem:$0x20];
	_ =	sdelay $0x4  }
0x40: {  	v52 =	vshll.u32 v3, $0x2  }
0x41: {  	v3 =	vand.u32 $0x7, v3;
	v4 =	vand.u32 $0xFFFFFFE0, v52  }
0x42: {  	v3 =	vor.u32 v3, v4  }
0x43: {  	v4 =	vperm.xlane v3, v0;
	_ =	sdelay $0x1  }
0x44: {  	v4 =	vadd.s32 v1, v4;
	_ =	sdelay $0x1  }
0x45: {  	v3 =	vperm.xlane v3, v2;
	_ =	sdelay $0x1  }
0x46: {  	s24 =	simm.s32 $0x4100;
	v3 =	vadd.s32 v1, v3  }
0x47: {  	[tilespmem:s24], [sflag:$0x1] =	stream.indirect_vreg.gather [hbm4b:s1+s3], $0x80, v4, vm0, $0xb8;
	[tilespmem:$0x1A100] =	vst v63  }
0x48: {  	s26 =	simm.s32 $0x4900  }
0x49: {  	[tilespmem:s26], [sflag:$0x1] =	stream.indirect_vreg.gather [hbm4b:s5+s3], $0x80, v4, vm0, $0xb8;
	[tilespmem:$0x1A100] =	vst v63  }
0x4a: {  	s23 =	simm.s32 $0x5100  }
0x4b: {  	[tilespmem:s23], [sflag:$0x1] =	stream.indirect_vreg.gather [hbm4b:s1+s3], $0x80, v3, vm0, $0xb8;
	[tilespmem:$0x1A100] =	vst v63  }
0x4c: {  	s24 =	simm.s32 $0x5900  }
0x4d: {  	[tilespmem:s24], [sflag:$0x1] =	stream.indirect_vreg.gather [hbm4b:s5+s3], $0x80, v3, vm0, $0xb8;
	[tilespmem:$0x1A100] =	vst v63  }
0x4e: {  	v3 =	vld [tilespmem:$0x30];
	_ =	sdelay $0x4  }
0x4f: {  	v53 =	vshll.u32 v3, $0x2  }
0x50: {  	v3 =	vand.u32 $0x7, v3;
	v4 =	vand.u32 $0xFFFFFFE0, v53  }
0x51: {  	v3 =	vor.u32 v3, v4  }
0x52: {  	v4 =	vperm.xlane v3, v0;
	_ =	sdelay $0x1  }
0x53: {  	v4 =	vadd.s32 v1, v4;
	_ =	sdelay $0x1  }
0x54: {  	v3 =	vperm.xlane v3, v2;
	_ =	sdelay $0x1  }
0x55: {  	s26 =	simm.s32 $0x6100;
	v3 =	vadd.s32 v1, v3  }
0x56: {  	[tilespmem:s26], [sflag:$0x2] =	stream.indirect_vreg.gather [hbm4b:s1+s3], $0x80, v4, vm0, $0xb8;
	[tilespmem:$0x1A100] =	vst v63  }
0x57: {  	s23 =	simm.s32 $0x6900  }
0x58: {  	[tilespmem:s23], [sflag:$0x2] =	stream.indirect_vreg.gather [hbm4b:s5+s3], $0x80, v4, vm0, $0xb8;
	[tilespmem:$0x1A100] =	vst v63  }
0x59: {  	_ = 	snop  }
0x5a: {  	[tilespmem:s28], [sflag:$0x2] =	stream.indirect_vreg.gather [hbm4b:s1+s3], $0x80, v3, vm0, $0xb8;
	[tilespmem:$0x1A100] =	vst v63  }
0x5b: {  	_ = 	snop  }
0x5c: {  	[tilespmem:s29], [sflag:$0x2] =	stream.indirect_vreg.gather [hbm4b:s5+s3], $0x80, v3, vm0, $0xb8;
	[tilespmem:$0x1A100] =	vst v63  }
0x5d: {  	v3 =	vld [tilespmem:$0x40];
	_ =	sdelay $0x4  }
0x5e: {  	v54 =	vshll.u32 v3, $0x2  }
0x5f: {  	v3 =	vand.u32 $0x7, v3;
	v4 =	vand.u32 $0xFFFFFFE0, v54  }
0x60: {  	v3 =	vor.u32 v3, v4  }
0x61: {  	v4 =	vperm.xlane v3, v0;
	_ =	sdelay $0x1  }
0x62: {  	v4 =	vadd.s32 v1, v4;
	_ =	sdelay $0x1  }
0x63: {  	v3 =	vperm.xlane v3, v2;
	_ =	sdelay $0x1  }
0x64: {  	v3 =	vadd.s32 v1, v3  }
0x65: {  	[tilespmem:s30], [sflag:$0x2] =	stream.indirect_vreg.gather [hbm4b:s1+s3], $0x80, v4, vm0, $0xb8;
	[tilespmem:$0x1A100] =	vst v63  }
0x66: {  	_ = 	snop  }
0x67: {  	[tilespmem:s31], [sflag:$0x2] =	stream.indirect_vreg.gather [hbm4b:s5+s3], $0x80, v4, vm0, $0xb8;
	[tilespmem:$0x1A100] =	vst v63  }
0x68: {  	_ = 	snop  }
0x69: {  	[tilespmem:s2], [sflag:$0x2] =	stream.indirect_vreg.gather [hbm4b:s1+s3], $0x80, v3, vm0, $0xb8;
	[tilespmem:$0x1A100] =	vst v63  }
0x6a: {  	_ = 	snop  }
0x6b: {  	[tilespmem:s0], [sflag:$0x2] =	stream.indirect_vreg.gather [hbm4b:s5+s3], $0x80, v3, vm0, $0xb8;
	[tilespmem:$0x1A100] =	vst v63  }
0x6c: {  	v3 =	vld [tilespmem:$0x50];
	_ =	sdelay $0x4  }
0x6d: {  	v55 =	vshll.u32 v3, $0x2  }
0x6e: {  	v3 =	vand.u32 $0x7, v3;
	v4 =	vand.u32 $0xFFFFFFE0, v55  }
0x6f: {  	v3 =	vor.u32 v3, v4  }
0x70: {  	v4 =	vperm.xlane v3, v0;
	_ =	sdelay $0x1  }
0x71: {  	v4 =	vadd.s32 v1, v4;
	_ =	sdelay $0x1  }
0x72: {  	v3 =	vperm.xlane v3, v2;
	_ =	sdelay $0x1  }
0x73: {  	v3 =	vadd.s32 v1, v3  }
0x74: {  	[tilespmem:s9], [sflag:$0x2] =	stream.indirect_vreg.gather [hbm4b:s1+s3], $0x80, v4, vm0, $0xb8;
	[tilespmem:$0x1A100] =	vst v63  }
0x75: {  	_ = 	snop  }
0x76: {  	[tilespmem:s10], [sflag:$0x2] =	stream.indirect_vreg.gather [hbm4b:s5+s3], $0x80, v4, vm0, $0xb8;
	[tilespmem:$0x1A100] =	vst v63  }
0x77: {  	_ = 	snop  }
0x78: {  	[tilespmem:s14], [sflag:$0x2] =	stream.indirect_vreg.gather [hbm4b:s1+s3], $0x80, v3, vm0, $0xb8;
	[tilespmem:$0x1A100] =	vst v63  }
0x79: {  	_ = 	snop  }
0x7a: {  	[tilespmem:s15], [sflag:$0x2] =	stream.indirect_vreg.gather [hbm4b:s5+s3], $0x80, v3, vm0, $0xb8;
	[tilespmem:$0x1A100] =	vst v63  }
0x7b: {  	v3 =	vld.msk [tilespmem:$0x60], $0xff;
	_ =	sdelay $0x4  }
0x7c: {  	v56 =	vshll.u32 v3, $0x2  }
0x7d: {  	v3 =	vand.u32 $0x7, v3;
	v4 =	vand.u32 $0xFFFFFFE0, v56  }
0x7e: {  	v3 =	vor.u32 v3, v4  }
0x7f: {  	v3 =	vperm.xlane v3, v0;
	_ =	sdelay $0x1  }
0x80: {  	v3 =	vadd.s32 v1, v3;
	_ =	sdelay $0x4  }
0x81: {  	[tilespmem:s16], [sflag:$0x2] =	stream.indirect_vreg.gather [hbm4b:s1+s3], $0x80, v3, vm0, $0xb8;
	[tilespmem:$0x1A100] =	vst v63  }
0x82: {  	_ = 	snop  }
0x83: {  	[tilespmem:s17], [sflag:$0x2] =	stream.indirect_vreg.gather [hbm4b:s5+s3], $0x80, v3, vm0, $0xb8;
	[tilespmem:$0x1A100] =	vst v63  }
0x84: {  	s24 =	simm.s32 $0x80  }
0x85: {  	[tilespmem:s24], [sflag:$0x5] =	stream.linear.gather [hbm4b:s6+s3], $0x68, $0x38;
	[tilespmem:$0x1A100] =	vst v63  }
0x86: {  	_ =	swait.ge [sflag:s12], $0x68  }
0x87: {  	[sflag:s12] =	ssyncset.done $0x0  }
0x88: {  	[sflag:s12] =	ssyncadd.s32 $0xFFFFFF98  }
0x89: {  	v3 =	vld [tilespmem:$0x80];
	_ =	sdelay $0x4  }
0x8a: {  	v57 =	vshll.u32 v3, $0x2  }
0x8b: {  	v3 =	vand.u32 $0x7, v3;
	v4 =	vand.u32 $0xFFFFFFE0, v57  }
0x8c: {  	v3 =	vor.u32 v3, v4  }
0x8d: {  	v4 =	vperm.xlane v3, v0;
	_ =	sdelay $0x1  }
0x8e: {  	v4 =	vadd.s32 v1, v4;
	_ =	sdelay $0x1  }
0x8f: {  	v3 =	vperm.xlane v3, v2;
	_ =	sdelay $0x1  }
0x90: {  	v3 =	vadd.s32 v1, v3  }
0x91: {  	[tilespmem:s22], [sflag:$0x3] =	stream.indirect_vreg.gather [hbm4b:s1+s3], $0x80, v4, vm0, $0xb8;
	[tilespmem:$0x1A100] =	vst v63  }
0x92: {  	s26 =	simm.s32 $0xD900  }
0x93: {  	[tilespmem:s26], [sflag:$0x3] =	stream.indirect_vreg.gather [hbm4b:s5+s3], $0x80, v4, vm0, $0xb8;
	[tilespmem:$0x1A100] =	vst v63  }
0x94: {  	s23 =	simm.s32 $0xE100  }
0x95: {  	[tilespmem:s23], [sflag:$0x3] =	stream.indirect_vreg.gather [hbm4b:s1+s3], $0x80, v3, vm0, $0xb8;
	[tilespmem:$0x1A100] =	vst v63  }
0x96: {  	s24 =	simm.s32 $0xE900  }
0x97: {  	[tilespmem:s24], [sflag:$0x3] =	stream.indirect_vreg.gather [hbm4b:s5+s3], $0x80, v3, vm0, $0xb8;
	[tilespmem:$0x1A100] =	vst v63  }
0x98: {  	v3 =	vld [tilespmem:$0x90];
	_ =	sdelay $0x4  }
0x99: {  	v58 =	vshll.u32 v3, $0x2  }
0x9a: {  	v3 =	vand.u32 $0x7, v3;
	v4 =	vand.u32 $0xFFFFFFE0, v58  }
0x9b: {  	v3 =	vor.u32 v3, v4  }
0x9c: {  	v4 =	vperm.xlane v3, v0;
	_ =	sdelay $0x1  }
0x9d: {  	v4 =	vadd.s32 v1, v4;
	_ =	sdelay $0x1  }
0x9e: {  	v3 =	vperm.xlane v3, v2;
	_ =	sdelay $0x1  }
0x9f: {  	s26 =	simm.s32 $0xF100;
	v3 =	vadd.s32 v1, v3  }
0xa0: {  	[tilespmem:s26], [sflag:$0x3] =	stream.indirect_vreg.gather [hbm4b:s1+s3], $0x80, v4, vm0, $0xb8;
	[tilespmem:$0x1A100] =	vst v63  }
0xa1: {  	s23 =	simm.s32 $0xF900  }
0xa2: {  	[tilespmem:s23], [sflag:$0x3] =	stream.indirect_vreg.gather [hbm4b:s5+s3], $0x80, v4, vm0, $0xb8;
	[tilespmem:$0x1A100] =	vst v63  }
0xa3: {  	s24 =	simm.s32 $0x10100  }
0xa4: {  	[tilespmem:s24], [sflag:$0x3] =	stream.indirect_vreg.gather [hbm4b:s1+s3], $0x80, v3, vm0, $0xb8;
	[tilespmem:$0x1A100] =	vst v63  }
0xa5: {  	s26 =	simm.s32 $0x10900  }
0xa6: {  	[tilespmem:s26], [sflag:$0x3] =	stream.indirect_vreg.gather [hbm4b:s5+s3], $0x80, v3, vm0, $0xb8;
	[tilespmem:$0x1A100] =	vst v63  }
0xa7: {  	v3 =	vld [tilespmem:$0xA0];
	_ =	sdelay $0x4  }
0xa8: {  	v59 =	vshll.u32 v3, $0x2  }
0xa9: {  	v3 =	vand.u32 $0x7, v3;
	v4 =	vand.u32 $0xFFFFFFE0, v59  }
0xaa: {  	v3 =	vor.u32 v3, v4  }
0xab: {  	v4 =	vperm.xlane v3, v0;
	_ =	sdelay $0x1  }
0xac: {  	v4 =	vadd.s32 v1, v4;
	_ =	sdelay $0x1  }
0xad: {  	v3 =	vperm.xlane v3, v2;
	_ =	sdelay $0x1  }
0xae: {  	s23 =	simm.s32 $0x11100;
	v3 =	vadd.s32 v1, v3  }
0xaf: {  	[tilespmem:s23], [sflag:$0x3] =	stream.indirect_vreg.gather [hbm4b:s1+s3], $0x80, v4, vm0, $0xb8;
	[tilespmem:$0x1A100] =	vst v63  }
0xb0: {  	s24 =	simm.s32 $0x11900  }
0xb1: {  	[tilespmem:s24], [sflag:$0x3] =	stream.indirect_vreg.gather [hbm4b:s5+s3], $0x80, v4, vm0, $0xb8;
	[tilespmem:$0x1A100] =	vst v63  }
0xb2: {  	s26 =	simm.s32 $0x12100  }
0xb3: {  	[tilespmem:s26], [sflag:$0x3] =	stream.indirect_vreg.gather [hbm4b:s1+s3], $0x80, v3, vm0, $0xb8;
	[tilespmem:$0x1A100] =	vst v63  }
0xb4: {  	s23 =	simm.s32 $0x12900  }
0xb5: {  	[tilespmem:s23], [sflag:$0x3] =	stream.indirect_vreg.gather [hbm4b:s5+s3], $0x80, v3, vm0, $0xb8;
	[tilespmem:$0x1A100] =	vst v63  }
0xb6: {  	v3 =	vld [tilespmem:$0xB0];
	_ =	sdelay $0x4  }
0xb7: {  	v60 =	vshll.u32 v3, $0x2  }
0xb8: {  	v3 =	vand.u32 $0x7, v3;
	v4 =	vand.u32 $0xFFFFFFE0, v60  }
0xb9: {  	v3 =	vor.u32 v3, v4  }
0xba: {  	v4 =	vperm.xlane v3, v0;
	_ =	sdelay $0x1  }
0xbb: {  	v4 =	vadd.s32 v1, v4;
	_ =	sdelay $0x1  }
0xbc: {  	v3 =	vperm.xlane v3, v2;
	_ =	sdelay $0x1  }
0xbd: {  	s24 =	simm.s32 $0x13100;
	v3 =	vadd.s32 v1, v3  }
0xbe: {  	[tilespmem:s24], [sflag:$0x4] =	stream.indirect_vreg.gather [hbm4b:s1+s3], $0x80, v4, vm0, $0xb8;
	[tilespmem:$0x1A100] =	vst v63  }
0xbf: {  	s26 =	simm.s32 $0x13900  }
0xc0: {  	[tilespmem:s26], [sflag:$0x4] =	stream.indirect_vreg.gather [hbm4b:s5+s3], $0x80, v4, vm0, $0xb8;
	[tilespmem:$0x1A100] =	vst v63  }
0xc1: {  	s23 =	simm.s32 $0x14100  }
0xc2: {  	[tilespmem:s23], [sflag:$0x4] =	stream.indirect_vreg.gather [hbm4b:s1+s3], $0x80, v3, vm0, $0xb8;
	[tilespmem:$0x1A100] =	vst v63  }
0xc3: {  	s24 =	simm.s32 $0x14900  }
0xc4: {  	[tilespmem:s24], [sflag:$0x4] =	stream.indirect_vreg.gather [hbm4b:s5+s3], $0x80, v3, vm0, $0xb8;
	[tilespmem:$0x1A100] =	vst v63  }
0xc5: {  	v3 =	vld [tilespmem:$0xC0];
	_ =	sdelay $0x4  }
0xc6: {  	v61 =	vshll.u32 v3, $0x2  }
0xc7: {  	v3 =	vand.u32 $0x7, v3;
	v4 =	vand.u32 $0xFFFFFFE0, v61  }
0xc8: {  	v3 =	vor.u32 v3, v4  }
0xc9: {  	v4 =	vperm.xlane v3, v0;
	_ =	sdelay $0x1  }
0xca: {  	v4 =	vadd.s32 v1, v4;
	_ =	sdelay $0x1  }
0xcb: {  	v3 =	vperm.xlane v3, v2;
	_ =	sdelay $0x1  }
0xcc: {  	s26 =	simm.s32 $0x15100;
	v3 =	vadd.s32 v1, v3  }
0xcd: {  	[tilespmem:s26], [sflag:$0x4] =	stream.indirect_vreg.gather [hbm4b:s1+s3], $0x80, v4, vm0, $0xb8;
	[tilespmem:$0x1A100] =	vst v63  }
0xce: {  	s23 =	simm.s32 $0x15900  }
0xcf: {  	[tilespmem:s23], [sflag:$0x4] =	stream.indirect_vreg.gather [hbm4b:s5+s3], $0x80, v4, vm0, $0xb8;
	[tilespmem:$0x1A100] =	vst v63  }
0xd0: {  	s24 =	simm.s32 $0x16100  }
0xd1: {  	[tilespmem:s24], [sflag:$0x4] =	stream.indirect_vreg.gather [hbm4b:s1+s3], $0x80, v3, vm0, $0xb8;
	[tilespmem:$0x1A100] =	vst v63  }
0xd2: {  	s26 =	simm.s32 $0x16900  }
0xd3: {  	[tilespmem:s26], [sflag:$0x4] =	stream.indirect_vreg.gather [hbm4b:s5+s3], $0x80, v3, vm0, $0xb8;
	[tilespmem:$0x1A100] =	vst v63  }
0xd4: {  	v3 =	vld [tilespmem:$0xD0];
	_ =	sdelay $0x4  }
0xd5: {  	v62 =	vshll.u32 v3, $0x2  }
0xd6: {  	v3 =	vand.u32 $0x7, v3;
	v4 =	vand.u32 $0xFFFFFFE0, v62  }
0xd7: {  	v3 =	vor.u32 v3, v4  }
0xd8: {  	v4 =	vperm.xlane v3, v0;
	_ =	sdelay $0x1  }
0xd9: {  	v4 =	vadd.s32 v1, v4;
	_ =	sdelay $0x1  }
0xda: {  	v3 =	vperm.xlane v3, v2;
	_ =	sdelay $0x1  }
0xdb: {  	s23 =	simm.s32 $0x17100;
	v3 =	vadd.s32 v1, v3  }
0xdc: {  	[tilespmem:s23], [sflag:$0x4] =	stream.indirect_vreg.gather [hbm4b:s1+s3], $0x80, v4, vm0, $0xb8;
	[tilespmem:$0x1A100] =	vst v63  }
0xdd: {  	s24 =	simm.s32 $0x17900  }
0xde: {  	[tilespmem:s24], [sflag:$0x4] =	stream.indirect_vreg.gather [hbm4b:s5+s3], $0x80, v4, vm0, $0xb8;
	[tilespmem:$0x1A100] =	vst v63  }
0xdf: {  	s26 =	simm.s32 $0x18100  }
0xe0: {  	[tilespmem:s26], [sflag:$0x4] =	stream.indirect_vreg.gather [hbm4b:s1+s3], $0x80, v3, vm0, $0xb8;
	[tilespmem:$0x1A100] =	vst v63  }
0xe1: {  	s23 =	simm.s32 $0x18900  }
0xe2: {  	[tilespmem:s23], [sflag:$0x4] =	stream.indirect_vreg.gather [hbm4b:s5+s3], $0x80, v3, vm0, $0xb8;
	[tilespmem:$0x1A100] =	vst v63  }
0xe3: {  	v3 =	vld.msk [tilespmem:$0xE0], $0xff;
	_ =	sdelay $0x4  }
0xe4: {  	v63 =	vshll.u32 v3, $0x2  }
0xe5: {  	v3 =	vand.u32 $0x7, v3;
	v4 =	vand.u32 $0xFFFFFFE0, v63  }
0xe6: {  	v3 =	vor.u32 v3, v4  }
0xe7: {  	v3 =	vperm.xlane v3, v0;
	_ =	sdelay $0x1  }
0xe8: {  	v3 =	vadd.s32 v1, v3;
	_ =	sdelay $0x3  }
0xe9: {  	s24 =	simm.s32 $0x19100  }
0xea: {  	[tilespmem:s24], [sflag:$0x4] =	stream.indirect_vreg.gather [hbm4b:s1+s3], $0x80, v3, vm0, $0xb8;
	[tilespmem:$0x1A100] =	vst v63  }
0xeb: {  	s26 =	simm.s32 $0x19900  }
0xec: {  	[tilespmem:s26], [sflag:$0x4] =	stream.indirect_vreg.gather [hbm4b:s5+s3], $0x80, v3, vm0, $0xb8;
	[tilespmem:$0x1A100] =	vst v63  }
0xed: {  	_ =	swait.ge [sflag:s18], $0x6000  }
0xee: {  	[sflag:s18] =	ssyncset.done $0x0  }
0xef: {  	[sflag:s18] =	ssyncadd.s32 $0xFFFFA000  }
0xf0: {  	_ =	swait.ge [sflag:s19], $0x7000  }
0xf1: {  	[sflag:s19] =	ssyncset.done $0x0  }
.Ltmp2:
0xf2: {  	[sflag:s19] =	ssyncadd.s32 $0xFFFF9000;
	(pc) =	sbr.rel @p0 .LBB2_3-.Ltmp2, $4  }
0xf3: {  	[hbm4b:s7+s3] =	stream.linear.scatter [tilespmem:s13], [sflag:$0x5], $0xD000, $0x38;
	[tilespmem:$0x1A100] =	vst v63  }
0xf4: {  	_ =	swait.ge [sflag:s12], $0xD000  }
0xf5: {  	s8 =	smov.u32 s25;
	s23 =	simm.s32 $0xD100;
	[sflag:s12] =	ssyncset.done $0x0  }
0xf6: {  	s24 =	simm.s32 $0x4;
	s26 =	simm.s32 $0x3;
	[sflag:s12] =	ssyncadd.s32 $0xFFFF3000  }
0xf7: {  	s8 =	rddreg [dreg:$0x4]  }
0xf8: {  	[tilespmem:s3], [sflag:$0x5] =	stream.linear.gather [hbm4b:s8+s3], $0x68, $0x38;
	[tilespmem:$0x1A100] =	vst v63  }
0xf9: {  	_ =	swait.ge [sflag:s12], $0x68  }
0xfa: {  	[sflag:s12] =	ssyncset.done $0x0  }
0xfb: {  	[sflag:s12] =	ssyncadd.s32 $0xFFFFFF98  }
0xfc: {  	v3 =	vld [tilespmem:$0x0];
	_ =	sdelay $0x4  }
0xfd: {  	v4 =	vshll.u32 v3, $0x2  }
0xfe: {  	v3 =	vand.u32 $0x7, v3;
	v4 =	vand.u32 $0xFFFFFFE0, v4  }
0xff: {  	v3 =	vor.u32 v3, v4  }
0x100: {  	v4 =	vperm.xlane v3, v0;
	_ =	sdelay $0x1  }
0x101: {  	v4 =	vadd.s32 v1, v4;
	_ =	sdelay $0x1  }
0x102: {  	v3 =	vperm.xlane v3, v2;
	_ =	sdelay $0x1  }
0x103: {  	s23 =	simm.s32 $0x100;
	v3 =	vadd.s32 v1, v3  }
0x104: {  	[tilespmem:s23], [sflag:$0x1] =	stream.indirect_vreg.gather [hbm4b:s1+s3], $0x80, v4, vm0, $0xb8;
	[tilespmem:$0x1A100] =	vst v63  }
0x105: {  	s26 =	simm.s32 $0x900  }
0x106: {  	[tilespmem:s26], [sflag:$0x1] =	stream.indirect_vreg.gather [hbm4b:s5+s3], $0x80, v4, vm0, $0xb8;
	[tilespmem:$0x1A100] =	vst v63  }
0x107: {  	s24 =	simm.s32 $0x1100  }
0x108: {  	[tilespmem:s24], [sflag:$0x1] =	stream.indirect_vreg.gather [hbm4b:s1+s3], $0x80, v3, vm0, $0xb8;
	[tilespmem:$0x1A100] =	vst v63  }
0x109: {  	s26 =	simm.s32 $0x1900  }
0x10a: {  	[tilespmem:s26], [sflag:$0x1] =	stream.indirect_vreg.gather [hbm4b:s5+s3], $0x80, v3, vm0, $0xb8;
	[tilespmem:$0x1A100] =	vst v63  }
0x10b: {  	v3 =	vld [tilespmem:$0x10];
	_ =	sdelay $0x4  }
0x10c: {  	v58 =	vshll.u32 v3, $0x2  }
0x10d: {  	v3 =	vand.u32 $0x7, v3;
	v4 =	vand.u32 $0xFFFFFFE0, v58  }
0x10e: {  	v3 =	vor.u32 v3, v4  }
0x10f: {  	v4 =	vperm.xlane v3, v0;
	_ =	sdelay $0x1  }
0x110: {  	v4 =	vadd.s32 v1, v4;
	_ =	sdelay $0x1  }
0x111: {  	v3 =	vperm.xlane v3, v2;
	_ =	sdelay $0x1  }
0x112: {  	s24 =	simm.s32 $0x2100;
	v3 =	vadd.s32 v1, v3  }
0x113: {  	[tilespmem:s24], [sflag:$0x1] =	stream.indirect_vreg.gather [hbm4b:s1+s3], $0x80, v4, vm0, $0xb8;
	[tilespmem:$0x1A100] =	vst v63  }
0x114: {  	s26 =	simm.s32 $0x2900  }
0x115: {  	[tilespmem:s26], [sflag:$0x1] =	stream.indirect_vreg.gather [hbm4b:s5+s3], $0x80, v4, vm0, $0xb8;
	[tilespmem:$0x1A100] =	vst v63  }
0x116: {  	s24 =	simm.s32 $0x3100  }
0x117: {  	[tilespmem:s24], [sflag:$0x1] =	stream.indirect_vreg.gather [hbm4b:s1+s3], $0x80, v3, vm0, $0xb8;
	[tilespmem:$0x1A100] =	vst v63  }
0x118: {  	s26 =	simm.s32 $0x3900  }
0x119: {  	[tilespmem:s26], [sflag:$0x1] =	stream.indirect_vreg.gather [hbm4b:s5+s3], $0x80, v3, vm0, $0xb8;
	[tilespmem:$0x1A100] =	vst v63  }
0x11a: {  	v3 =	vld [tilespmem:$0x20];
	_ =	sdelay $0x4  }
0x11b: {  	v59 =	vshll.u32 v3, $0x2  }
0x11c: {  	v3 =	vand.u32 $0x7, v3;
	v4 =	vand.u32 $0xFFFFFFE0, v59  }
0x11d: {  	v3 =	vor.u32 v3, v4  }
0x11e: {  	v4 =	vperm.xlane v3, v0;
	_ =	sdelay $0x1  }
0x11f: {  	v4 =	vadd.s32 v1, v4;
	_ =	sdelay $0x1  }
0x120: {  	v3 =	vperm.xlane v3, v2;
	_ =	sdelay $0x1  }
0x121: {  	s24 =	simm.s32 $0x4100;
	v3 =	vadd.s32 v1, v3  }
0x122: {  	[tilespmem:s24], [sflag:$0x1] =	stream.indirect_vreg.gather [hbm4b:s1+s3], $0x80, v4, vm0, $0xb8;
	[tilespmem:$0x1A100] =	vst v63  }
0x123: {  	s26 =	simm.s32 $0x4900  }
0x124: {  	[tilespmem:s26], [sflag:$0x1] =	stream.indirect_vreg.gather [hbm4b:s5+s3], $0x80, v4, vm0, $0xb8;
	[tilespmem:$0x1A100] =	vst v63  }
0x125: {  	s24 =	simm.s32 $0x5100  }
0x126: {  	[tilespmem:s24], [sflag:$0x1] =	stream.indirect_vreg.gather [hbm4b:s1+s3], $0x80, v3, vm0, $0xb8;
	[tilespmem:$0x1A100] =	vst v63  }
0x127: {  	s26 =	simm.s32 $0x5900  }
0x128: {  	[tilespmem:s26], [sflag:$0x1] =	stream.indirect_vreg.gather [hbm4b:s5+s3], $0x80, v3, vm0, $0xb8;
	[tilespmem:$0x1A100] =	vst v63  }
0x129: {  	v3 =	vld [tilespmem:$0x30];
	_ =	sdelay $0x4  }
0x12a: {  	v60 =	vshll.u32 v3, $0x2  }
0x12b: {  	v3 =	vand.u32 $0x7, v3;
	v4 =	vand.u32 $0xFFFFFFE0, v60  }
0x12c: {  	v3 =	vor.u32 v3, v4  }
0x12d: {  	v4 =	vperm.xlane v3, v0;
	_ =	sdelay $0x1  }
0x12e: {  	v4 =	vadd.s32 v1, v4;
	_ =	sdelay $0x1  }
0x12f: {  	v3 =	vperm.xlane v3, v2;
	_ =	sdelay $0x1  }
0x130: {  	s24 =	simm.s32 $0x6100;
	v3 =	vadd.s32 v1, v3  }
0x131: {  	[tilespmem:s24], [sflag:$0x2] =	stream.indirect_vreg.gather [hbm4b:s1+s3], $0x80, v4, vm0, $0xb8;
	[tilespmem:$0x1A100] =	vst v63  }
0x132: {  	s26 =	simm.s32 $0x6900  }
0x133: {  	[tilespmem:s26], [sflag:$0x2] =	stream.indirect_vreg.gather [hbm4b:s5+s3], $0x80, v4, vm0, $0xb8;
	[tilespmem:$0x1A100] =	vst v63  }
0x134: {  	_ = 	snop  }
0x135: {  	[tilespmem:s28], [sflag:$0x2] =	stream.indirect_vreg.gather [hbm4b:s1+s3], $0x80, v3, vm0, $0xb8;
	[tilespmem:$0x1A100] =	vst v63  }
0x136: {  	_ = 	snop  }
0x137: {  	[tilespmem:s29], [sflag:$0x2] =	stream.indirect_vreg.gather [hbm4b:s5+s3], $0x80, v3, vm0, $0xb8;
	[tilespmem:$0x1A100] =	vst v63  }
0x138: {  	v3 =	vld [tilespmem:$0x40];
	_ =	sdelay $0x4  }
0x139: {  	v61 =	vshll.u32 v3, $0x2  }
0x13a: {  	v3 =	vand.u32 $0x7, v3;
	v4 =	vand.u32 $0xFFFFFFE0, v61  }
0x13b: {  	v3 =	vor.u32 v3, v4  }
0x13c: {  	v4 =	vperm.xlane v3, v0;
	_ =	sdelay $0x1  }
0x13d: {  	v4 =	vadd.s32 v1, v4;
	_ =	sdelay $0x1  }
0x13e: {  	v3 =	vperm.xlane v3, v2;
	_ =	sdelay $0x1  }
0x13f: {  	v3 =	vadd.s32 v1, v3  }
0x140: {  	[tilespmem:s30], [sflag:$0x2] =	stream.indirect_vreg.gather [hbm4b:s1+s3], $0x80, v4, vm0, $0xb8;
	[tilespmem:$0x1A100] =	vst v63  }
0x141: {  	_ = 	snop  }
0x142: {  	[tilespmem:s31], [sflag:$0x2] =	stream.indirect_vreg.gather [hbm4b:s5+s3], $0x80, v4, vm0, $0xb8;
	[tilespmem:$0x1A100] =	vst v63  }
0x143: {  	_ = 	snop  }
0x144: {  	[tilespmem:s2], [sflag:$0x2] =	stream.indirect_vreg.gather [hbm4b:s1+s3], $0x80, v3, vm0, $0xb8;
	[tilespmem:$0x1A100] =	vst v63  }
0x145: {  	_ = 	snop  }
0x146: {  	[tilespmem:s0], [sflag:$0x2] =	stream.indirect_vreg.gather [hbm4b:s5+s3], $0x80, v3, vm0, $0xb8;
	[tilespmem:$0x1A100] =	vst v63  }
0x147: {  	v3 =	vld [tilespmem:$0x50];
	_ =	sdelay $0x4  }
0x148: {  	v62 =	vshll.u32 v3, $0x2  }
0x149: {  	v3 =	vand.u32 $0x7, v3;
	v4 =	vand.u32 $0xFFFFFFE0, v62  }
0x14a: {  	v3 =	vor.u32 v3, v4  }
0x14b: {  	v4 =	vperm.xlane v3, v0;
	_ =	sdelay $0x1  }
0x14c: {  	v4 =	vadd.s32 v1, v4;
	_ =	sdelay $0x1  }
0x14d: {  	v3 =	vperm.xlane v3, v2;
	_ =	sdelay $0x1  }
0x14e: {  	v3 =	vadd.s32 v1, v3  }
0x14f: {  	[tilespmem:s9], [sflag:$0x2] =	stream.indirect_vreg.gather [hbm4b:s1+s3], $0x80, v4, vm0, $0xb8;
	[tilespmem:$0x1A100] =	vst v63  }
0x150: {  	_ = 	snop  }
0x151: {  	[tilespmem:s10], [sflag:$0x2] =	stream.indirect_vreg.gather [hbm4b:s5+s3], $0x80, v4, vm0, $0xb8;
	[tilespmem:$0x1A100] =	vst v63  }
0x152: {  	_ = 	snop  }
0x153: {  	[tilespmem:s14], [sflag:$0x2] =	stream.indirect_vreg.gather [hbm4b:s1+s3], $0x80, v3, vm0, $0xb8;
	[tilespmem:$0x1A100] =	vst v63  }
0x154: {  	_ = 	snop  }
0x155: {  	[tilespmem:s15], [sflag:$0x2] =	stream.indirect_vreg.gather [hbm4b:s5+s3], $0x80, v3, vm0, $0xb8;
	[tilespmem:$0x1A100] =	vst v63  }
0x156: {  	v3 =	vld.msk [tilespmem:$0x60], $0xff;
	_ =	sdelay $0x4  }
0x157: {  	v63 =	vshll.u32 v3, $0x2  }
0x158: {  	v3 =	vand.u32 $0x7, v3;
	v4 =	vand.u32 $0xFFFFFFE0, v63  }
0x159: {  	v3 =	vor.u32 v3, v4  }
0x15a: {  	v3 =	vperm.xlane v3, v0;
	_ =	sdelay $0x1  }
0x15b: {  	v3 =	vadd.s32 v1, v3;
	_ =	sdelay $0x4  }
0x15c: {  	[tilespmem:s16], [sflag:$0x2] =	stream.indirect_vreg.gather [hbm4b:s1+s3], $0x80, v3, vm0, $0xb8;
	[tilespmem:$0x1A100] =	vst v63  }
0x15d: {  	_ = 	snop  }
0x15e: {  	[tilespmem:s17], [sflag:$0x2] =	stream.indirect_vreg.gather [hbm4b:s5+s3], $0x80, v3, vm0, $0xb8;
	[tilespmem:$0x1A100] =	vst v63  }
0x15f: {  	_ =	swait.ge [sflag:s20], $0x6000  }
0x160: {  	[sflag:s20] =	ssyncset.done $0x0  }
0x161: {  	[sflag:s20] =	ssyncadd.s32 $0xFFFFA000  }
0x162: {  	_ =	swait.ge [sflag:s21], $0x7000  }
0x163: {  	[sflag:s21] =	ssyncset.done $0x0  }
.Ltmp3:
0x164: {  	[sflag:s21] =	ssyncadd.s32 $0xFFFF9000;
	(pc) =	sbr.rel .LBB2_3-.Ltmp3, $4  }
0x165: {  	[hbm4b:s25+s3] =	stream.linear.scatter [tilespmem:s22], [sflag:$0x5], $0xD000, $0x38;
	[tilespmem:$0x1A100] =	vst v63  }
0x166: {  	_ =	swait.ge [sflag:s12], $0xD000  }
0x167: {  	s24 =	simm.s32 $0x2;
	[sflag:s12] =	ssyncset.done $0x0  }
0x168: {  	s26 =	simm.s32 $0x1;
	s8 =	rddreg [dreg:$0x5];
	[sflag:s12] =	ssyncadd.s32 $0xFFFF3000  }
.LBB2_4:
0x169: {  	_ =	sfence.sel $0x180000  }
0x16a: {  	[bflag:$0x0] =	sbarrier.arrive $0xFFFF  }
0x16b: {  	_ =	strace $0x90000047  }
0x16c: {  	s0 =	stileid.u32;
	[bflag:$0x2] =	sbarrier.arrive $0xFFFF  }
0x16d: {  	p0 =	sne.s32 s0, $0x0;
	s0 =	rddreg [dreg:$0x3]  }
0x16e: {  	s0 =	sadd.s32 @!p0 $0x100000, s0  }
0x16f: {  	[sflag:s0] =	ssyncadd.tile.s32 @!p0 $0x1;
	_ =	shalt  }
.Lfunc_end2:
_tile_overlayer_lowered:
.L_overlay_start_2:
0x170: {  	(tag) =	ssettag $0x2  }
0x171: {  	s0 =	rddreg [dreg:$0x0];
	s2 =	stileid.u32  }
0x172: {  	s1 =	rddreg [dreg:$0x1];
	p0 =	sne.s32 s2, $0x0  }
0x173: {  	s3 =	rddreg [dreg:$0x2];
	[bflag:$0x3] =	sbarrier.arrive $0xFFFF;
	s2 =	simm.s32 @!p0 $0x1C05  }
0x174: {  	[timem:s3], [sflag:s2] =	dma.local @!p0 [hbm:s0], s1  }
0x175: {  	s0 =	simm.s32 @!p0 $0x5  }
0x176: {  	_ =	swait.ge @!p0 [sflag:s0], s1  }
0x177: {  	s1 =	ssub.s32 @!p0 $0x0, s1;
	[sflag:s0] =	ssyncset.done @!p0 $0x0  }
0x178: {  	[sflag:s0] =	ssyncadd.s32 @!p0 s1  }
0x179: {  	[bflag:$0x3] =	sbarrier.arrive $0xFFFF  }
0x17a: {  	_ =	shalt  }

</sc_bundles>
